<compile_context>
chip_gen: v7x
topology: tpu7x:2x2x1
jax: 0.10.2.dev20260603
libtpu: 0.0.44.dev20260713+nightly
codegen_flags: <defaults>
</compile_context>

<pallas_src>
import functools

import jax
import jax.numpy as jnp
import numpy as np
from jax import lax
from jax.experimental import pallas as pl
from jax.experimental.pallas import tpu as pltpu

_SA = [
    (512, 0.1, 64),
    (256, 0.2, 64),
    (128, 0.4, 64),
]
_BNI = 1.0 / np.sqrt(1.0 + 1e-5)


def _gather_rows(pts, idx):
    B = pts.shape[0]
    bidx = jnp.arange(B).reshape((B,) + (1,) * (idx.ndim - 1))
    return pts[bidx, idx]


def _fps_x(xyz, npoint):
    B, N, _ = xyz.shape

    def body(i, state):
        dists, farthest, idxs = state
        idxs = idxs.at[:, i].set(farthest)
        centroid = xyz[jnp.arange(B), farthest][:, None, :]
        d = jnp.sum((xyz - centroid) ** 2, axis=-1)
        dists = jnp.minimum(dists, d)
        farthest = jnp.argmax(dists, axis=-1).astype(jnp.int32)
        return (dists, farthest, idxs)

    state = (jnp.full((B, N), 1e10, dtype=jnp.float32),
             jnp.zeros((B,), jnp.int32),
             jnp.zeros((B, npoint), jnp.int32))
    _, _, idxs = lax.fori_loop(0, npoint, body, state)
    return idxs


def _ball_x(radius, nsample, xyz, new_xyz):
    N = xyz.shape[1]
    sqr = jnp.sum((new_xyz[:, :, None, :] - xyz[:, None, :, :]) ** 2, axis=-1)
    gidx = jnp.broadcast_to(jnp.arange(N, dtype=jnp.int32), sqr.shape)
    gidx = jnp.where(sqr > radius * radius, N, gidx)
    gidx = jnp.sort(gidx, axis=-1)[:, :, :nsample]
    first = gidx[:, :, 0:1]
    gidx = jnp.where(gidx == N, jnp.broadcast_to(first, gidx.shape), gidx)
    gidx = jnp.where(gidx == N, 0, gidx)
    return gidx


def _mlp_x(x, layers):
    for p in layers:
        x = x @ p['W'] + p['b']
        x = p['gamma'] * (x * _BNI) + p['beta']
        x = jnp.maximum(x, 0.0)
    return x


def _fc_body(h_ref, w1_ref, b1_ref, w2_ref, b2_ref, w3_ref, b3_ref, out_ref):
    h = h_ref[...]
    h = jnp.dot(h, w1_ref[...], preferred_element_type=jnp.float32) + b1_ref[...]
    h = jnp.dot(h, w2_ref[...], preferred_element_type=jnp.float32) + b2_ref[...]
    h = jnp.dot(h, w3_ref[...], preferred_element_type=jnp.float32) + b3_ref[...]
    out_ref[...] = jnp.tanh(h)


def _fc_head(feat, fc):
    B = feat.shape[0]
    return pl.pallas_call(
        _fc_body,
        out_shape=jax.ShapeDtypeStruct((B, fc[2]['W'].shape[1]), jnp.float32),
    )(feat,
      fc[0]['W'], fc[0]['b'][None, :],
      fc[1]['W'], fc[1]['b'][None, :],
      fc[2]['W'], fc[2]['b'][None, :])


def kernel(pointcloud, params):
    xyz = pointcloud[..., 0:3]
    features = None
    for (npoint, radius, nsample), layers in zip(_SA, params['sa']):
        idx = _fps_x(xyz, npoint)
        new_xyz = _gather_rows(xyz, idx)
        gidx = _ball_x(radius, nsample, xyz, new_xyz)
        grouped_xyz = _gather_rows(xyz, gidx) - new_xyz[:, :, None, :]
        if features is None:
            grouped = grouped_xyz
        else:
            grouped = jnp.concatenate([grouped_xyz, _gather_rows(features, gidx)], axis=-1)
        new_features = jnp.max(_mlp_x(grouped, layers), axis=2)
        xyz, features = new_xyz, new_features
    grouped = jnp.concatenate([xyz, features], axis=-1)
    feat = jnp.max(_mlp_x(grouped, params['glob']), axis=1)
    return _fc_head(feat, params['fc'])

# --- scband reference (transcript-rebuilt; emitter-appended) ---
"""Pipeline reference for scband-point-net2-4638564680547 (READ-ONLY COPY).

The authoritative reference and input builder live on the scoring server;
editing this copy changes nothing except your own understanding.
"""

import jax, jax.numpy as jnp
import numpy as np

SA_SPECS = [
    (512, 0.1, 64, ((3, 32), (32, 32), (32, 64))),
    (256, 0.2, 64, ((67, 64), (64, 64), (64, 128))),
    (128, 0.4, 64, ((131, 128), (128, 128), (128, 256))),
]
GLOBAL_SPEC = ((259, 256), (256, 512), (512, 1024))
FC_SPEC = ((1024, 512), (512, 256), (256, 256))
_BN_INV = 1.0 / np.sqrt(1.0 + 1e-5)  # BatchNorm eval mode: running_mean=0, running_var=1


def _conv_bn_params(key, layers):
    ls = []
    for (cin, cout) in layers:
        key, k1 = jax.random.split(key)
        ls.append({
            'W': (jax.random.normal(k1, (cin, cout), dtype=jnp.float32) / np.sqrt(cin)).astype(jnp.float32),
            'b': jnp.zeros((cout,), jnp.float32),
            'gamma': jnp.ones((cout,), jnp.float32),
            'beta': jnp.zeros((cout,), jnp.float32),
        })
    return key, ls


def _make_params(key):
    params = {'sa': [], 'glob': [], 'fc': []}
    for (_, _, _, layers) in SA_SPECS:
        key, ls = _conv_bn_params(key, layers)
        params['sa'].append(ls)
    key, params['glob'] = _conv_bn_params(key, GLOBAL_SPEC)
    for (cin, cout) in FC_SPEC:
        key, k1, k2 = jax.random.split(key, 3)
        params['fc'].append({
            'W': (jax.random.normal(k1, (cin, cout), dtype=jnp.float32) / np.sqrt(cin)).astype(jnp.float32),
            'b': (jax.random.normal(k2, (cout,), dtype=jnp.float32) * 0.01).astype(jnp.float32),
        })
    return params


def setup_inputs(seed: int = 0):
    key = jax.random.key(seed)
    kpc, kpar = jax.random.split(key)
    pointcloud = jax.random.normal(kpc, (32, 2048, 3), dtype=jnp.float32)
    return {'pointcloud': pointcloud, 'params': _make_params(kpar)}


def _gather(pts, idx):
    # pts [B, N, C], idx [B, ...] -> [B, ..., C]
    B = pts.shape[0]
    bidx = jnp.arange(B).reshape((B,) + (1,) * (idx.ndim - 1))
    return pts[bidx, idx]


def _fps(xyz, npoint):
    # iterative farthest point sampling, starts at index 0 (matches pointnet2 CUDA op)
    B, N, _ = xyz.shape

    def body(i, state):
        dists, farthest, idxs = state
        idxs = idxs.at[:, i].set(farthest)
        centroid = xyz[jnp.arange(B), farthest][:, None, :]
        d = jnp.sum((xyz - centroid) ** 2, axis=-1)
        dists = jnp.minimum(dists, d)
        farthest = jnp.argmax(dists, axis=-1).astype(jnp.int32)
        return (dists, farthest, idxs)

    state = (jnp.full((B, N), 1e10, dtype=jnp.float32),
             jnp.zeros((B,), jnp.int32),
             jnp.zeros((B, npoint), jnp.int32))
    _, _, idxs = jax.lax.fori_loop(0, npoint, body, state)
    return idxs


def _ball_query(radius, nsample, xyz, new_xyz):
    # first-nsample-in-radius semantics, pad with first valid index
    N = xyz.shape[1]
    sqr = jnp.sum((new_xyz[:, :, None, :] - xyz[:, None, :, :]) ** 2, axis=-1)  # [B, S, N]
    gidx = jnp.broadcast_to(jnp.arange(N, dtype=jnp.int32), sqr.shape)
    gidx = jnp.where(sqr > radius * radius, N, gidx)
    gidx = jnp.sort(gidx, axis=-1)[:, :, :nsample]
    first = gidx[:, :, 0:1]
    gidx = jnp.where(gidx == N, jnp.broadcast_to(first, gidx.shape), gidx)
    gidx = jnp.where(gidx == N, 0, gidx)
    return gidx


def _mlp(x, layers):
    # shared MLP: 1x1 conv + BatchNorm(eval) + ReLU, channel-last layout
    for p in layers:
        x = x @ p['W'] + p['b']
        x = p['gamma'] * (x * _BN_INV) + p['beta']
        x = jnp.maximum(x, 0.0)
    return x


def _forward(pointcloud, params):
    xyz = pointcloud[..., 0:3]
    features = None
    for (npoint, radius, nsample, _), layers in zip(SA_SPECS, params['sa']):
        idx = _fps(xyz, npoint)
        new_xyz = _gather(xyz, idx)
        gidx = _ball_query(radius, nsample, xyz, new_xyz)
        grouped_xyz = _gather(xyz, gidx) - new_xyz[:, :, None, :]
        if features is None:
            grouped = grouped_xyz
        else:
            grouped = jnp.concatenate([grouped_xyz, _gather(features, gidx)], axis=-1)
        new_features = jnp.max(_mlp(grouped, layers), axis=2)  # max over nsample
        xyz, features = new_xyz, new_features
    # final SA module: group_all (xyz NOT re-centered, matches GroupAll)
    grouped = jnp.concatenate([xyz, features], axis=-1)  # [B, 128, 259]
    feat = jnp.max(_mlp(grouped, params['glob']), axis=1)  # [B, 1024]
    h = feat
    for i, p in enumerate(params['fc']):
        h = h @ p['W'] + p['b']
        if i < 2:
            # nn.LeakyReLU(True) sets negative_slope=True -> slope 1.0 -> identity
            h = jnp.where(h >= 0, h, 1.0 * h)
        else:
            h = jnp.tanh(h)
    return h


def reference(pointcloud, params):
    return _forward(pointcloud, params)

if __name__ == "__main__":
    import jax
    _d = setup_inputs()
    print(jax.jit(kernel)(*tuple(_d.values())))

</pallas_src>

<mosaic_0001>
module attributes {stable_mosaic.version = 14 : i64} {
  func.func @_fc_body(%arg0: memref<32x1024xf32, #tpu.memory_space<vmem>>, %arg1: memref<1024x512xf32, #tpu.memory_space<vmem>>, %arg2: memref<1x512xf32, #tpu.memory_space<vmem>>, %arg3: memref<512x256xf32, #tpu.memory_space<vmem>>, %arg4: memref<1x256xf32, #tpu.memory_space<vmem>>, %arg5: memref<256x256xf32, #tpu.memory_space<vmem>>, %arg6: memref<1x256xf32, #tpu.memory_space<vmem>>, %arg7: memref<32x256xf32, #tpu.memory_space<vmem>>) attributes {dimension_semantics = [], scalar_prefetch = 0 : i64, scratch_operands = 0 : i64, tpu.core_type = #tpu.core_type<tc>} {
    %get3A = arith.constant 0 : index
    %get3A_0 = arith.constant 0 : index
    %get3A_1 = vector.load %arg0[%get3A, %get3A_0] : memref<32x1024xf32, #tpu.memory_space<vmem>>, vector<32x1024xf32>
    %get3A_2 = arith.constant 0 : index
    %get3A_3 = arith.constant 0 : index
    %get3A_4 = vector.load %arg1[%get3A_2, %get3A_3] : memref<1024x512xf32, #tpu.memory_space<vmem>>, vector<1024x512xf32>
    %dot_general3A = arith.constant dense<0.000000e+00> : vector<32x512xf32>
    %dot_general3A_5 = tpu.matmul %get3A_1, %get3A_4, %dot_general3A {dimension_numbers = #tpu.dot_dimension_numbers<[1], [0], [0], [1], [0, 0, 1, 1], [], []>, transpose_lhs_hint = false} : vector<32x1024xf32>, vector<1024x512xf32>, vector<32x512xf32> -> vector<32x512xf32>
    %get3A_6 = arith.constant 0 : index
    %get3A_7 = arith.constant 0 : index
    %get3A_8 = vector.load %arg2[%get3A_6, %get3A_7] : memref<1x512xf32, #tpu.memory_space<vmem>>, vector<1x512xf32>
    %add3A = vector.broadcast %get3A_8 : vector<1x512xf32> to vector<32x512xf32>
    %add3A_9 = arith.addf %dot_general3A_5, %add3A : vector<32x512xf32>
    %get3A_10 = arith.constant 0 : index
    %get3A_11 = arith.constant 0 : index
    %get3A_12 = vector.load %arg3[%get3A_10, %get3A_11] : memref<512x256xf32, #tpu.memory_space<vmem>>, vector<512x256xf32>
    %dot_general3A_13 = arith.constant dense<0.000000e+00> : vector<32x256xf32>
    %dot_general3A_14 = tpu.matmul %add3A_9, %get3A_12, %dot_general3A_13 {dimension_numbers = #tpu.dot_dimension_numbers<[1], [0], [0], [1], [0, 0, 1, 1], [], []>, transpose_lhs_hint = false} : vector<32x512xf32>, vector<512x256xf32>, vector<32x256xf32> -> vector<32x256xf32>
    %get3A_15 = arith.constant 0 : index
    %get3A_16 = arith.constant 0 : index
    %get3A_17 = vector.load %arg4[%get3A_15, %get3A_16] : memref<1x256xf32, #tpu.memory_space<vmem>>, vector<1x256xf32>
    %add3A_18 = vector.broadcast %get3A_17 : vector<1x256xf32> to vector<32x256xf32>
    %add3A_19 = arith.addf %dot_general3A_14, %add3A_18 : vector<32x256xf32>
    %get3A_20 = arith.constant 0 : index
    %get3A_21 = arith.constant 0 : index
    %get3A_22 = vector.load %arg5[%get3A_20, %get3A_21] : memref<256x256xf32, #tpu.memory_space<vmem>>, vector<256x256xf32>
    %dot_general3A_23 = arith.constant dense<0.000000e+00> : vector<32x256xf32>
    %dot_general3A_24 = tpu.matmul %add3A_19, %get3A_22, %dot_general3A_23 {dimension_numbers = #tpu.dot_dimension_numbers<[1], [0], [0], [1], [0, 0, 1, 1], [], []>, transpose_lhs_hint = false} : vector<32x256xf32>, vector<256x256xf32>, vector<32x256xf32> -> vector<32x256xf32>
    %get3A_25 = arith.constant 0 : index
    %get3A_26 = arith.constant 0 : index
    %get3A_27 = vector.load %arg6[%get3A_25, %get3A_26] : memref<1x256xf32, #tpu.memory_space<vmem>>, vector<1x256xf32>
    %add3A_28 = vector.broadcast %get3A_27 : vector<1x256xf32> to vector<32x256xf32>
    %add3A_29 = arith.addf %dot_general3A_24, %add3A_28 : vector<32x256xf32>
    %tanh3A = math.tanh %add3A_29 : vector<32x256xf32>
    %swap3A = arith.constant 0 : index
    %swap3A_30 = arith.constant 0 : index
    %swap3A_31 = vector.load %arg7[%swap3A, %swap3A_30] : memref<32x256xf32, #tpu.memory_space<vmem>>, vector<32x256xf32>
    tpu.vector_store %arg7[%swap3A, %swap3A_30], %tanh3A {strides = array<i32>} : memref<32x256xf32, #tpu.memory_space<vmem>>, vector<32x256xf32>,
    return
  }
}

</mosaic_0001>

<sc_bundles>
// kernel: gather_offload_async_start.1
scs
__scs_entry_jumppad:
0x0: {  	(pc) =	sbr.rel $0x88, $3  }
0x1: {  	(tag) =	ssettag $0x0;
	lr =	simm.s32 $0x1  }
0x2: {  	[smem:$0x3F6A] =	sst lr;
	_ =	strace $0xD0000000  }
0x3: {  	_ = 	snop  }
0x4: {  	_ = 	snop  }
0x5: {  	_ = 	snop  }
0x6: {  	_ = 	snop  }
0x7: {  	_ = 	snop  }
__scs_overlays_trampoline_lowered:
0x8: {  	[smem:$0x3F79] =	sst s0  }
0x9: {  	[smem:$0x3F7A] =	sst s1  }
0xa: {  	[smem:$0x3F7B] =	sst s2  }
0xb: {  	[smem:$0x3F7C] =	sst s3  }
0xc: {  	[smem:$0x3F7D] =	sst s4  }
0xd: {  	[smem:$0x3F7E] =	sst s5  }
0xe: {  	[smem:$0x3F7F] =	sst s6  }
0xf: {  	[smem:$0x3F80] =	sst s7  }
0x10: {  	[smem:$0x3F81] =	sst s8  }
0x11: {  	[smem:$0x3F82] =	sst s9;
	s0 =	simm.s32 @!p0 $0x0  }
0x12: {  	s1 =	sld [smem:$0x3F68];
	s0 =	simm.s32 @p0 $0x1  }
0x13: {  	[smem:$0x3F83] =	sst s0;
	s0 =	simm.s32 @!p1 $0x0  }
0x14: {  	s2 =	sld [smem:$0x3F67];
	s0 =	simm.s32 @p1 $0x1  }
0x15: {  	[smem:$0x3F84] =	sst s0;
	s0 =	simm.s32 @!p2 $0x0  }
0x16: {  	s3 =	sld [smem:$0x3FDB];
	s0 =	simm.s32 @p2 $0x1  }
0x17: {  	s4 =	simm.s32 $0x1BF5;
	[smem:$0x3F86] =	sst s0  }
0x18: {  	s0 =	sld [smem:$0x3F69];
	_ =	swait.ge [sflag:s4], $0x0  }
0x19: {  	s7 =	sld [smem:$0x3F6A]  }
0x1a: {  	s8 =	sadd.s32 $0xFFFFE003, lr  }
0x1b: {  	s9 =	sadd.s32 $0xFFFFFEF7, lr;
	s5 =	simm.s32 $0xFFFFFFFF;
	p2 =	slt.u32 s8, $0xFFFFF086  }
0x1c: {  	p1 =	slt.u32 s9, $0xF7A;
	s5 =	simm.s32 @!p2 $0x0  }
0x1d: {  	s5 =	simm.s32 @p1 $0x1;
	p0 =	seq.s32 s7, s2  }
0x1e: {  	s7 =	smul.u32 @!p0 $0xF7A, s2;
	p2 =	seq.s32 @!p0 s5, $0x0  }
0x1f: {  	s9 =	smul.u32 $0xF7A, s1;
	s8 =	simm.s32 @!p0 $0x1BF5;
	p2 =	por !p2, p0  }
0x20: {  	[sflag:s8] =	ssyncset.s32 @!p0 $0xFFFFF086;
	s6 =	sadd.s32 @!p0 s3, s7;
	s7 =	simm.s32 @!p0 $0x108  }
0x21: {  	s3 =	sadd.s32 s3, s9;
	s6 =	sadd.s32 @!p0 $0x88, s6;
	s7 =	simm.s32 @p2 $0x1082  }
0x22: {  	[simem:s7], [sflag:s8] =	dma.local @!p0 [hbm:s6], $0xF7A  }
0x23: {  	s9 =	sor.u32 $0xD0000000, s2;
	s6 =	simm.s32 $0x108;
	_ =	swait.ge @!p0 [sflag:s8], $0x0  }
0x24: {  	s3 =	sadd.s32 $0x88, s3;
	s6 =	simm.s32 @!p1 $0x1082;
	[sflag:s4] =	ssyncset.s32 $0xFFFFF086  }
0x25: {  	[simem:s6], [sflag:s4] =	dma.local [hbm:s3], $0xF7A  }
0x26: {  	[smem:$0x3F6A] =	sst s1;
	(tag) =	ssettag s2;
	_ =	strace s9  }
0x27: {  	s1 =	sld [smem:$0x3F7A]  }
0x28: {  	s2 =	sld [smem:$0x3F7B]  }
0x29: {  	s4 =	sld [smem:$0x3F7D]  }
0x2a: {  	p0 =	seq.s32 s5, $0x0;
	s5 =	sld [smem:$0x3F7E]  }
0x2b: {  	s6 =	sld [smem:$0x3F7F]  }
0x2c: {  	s7 =	sld [smem:$0x3F80]  }
0x2d: {  	s3 =	simm.s32 $0x108;
	s8 =	sld [smem:$0x3F81]  }
0x2e: {  	s3 =	simm.s32 @!p0 $0x1082;
	s9 =	sld [smem:$0x3F82]  }
0x2f: {  	lr =	sadd.s32 s0, s3;
	s0 =	sld [smem:$0x3F79]  }
0x30: {  	s3 =	sld [smem:$0x3F7C]  }
0x31: {  	[smem:$0x3F85] =	sst s10  }
0x32: {  	s10 =	sld [smem:$0x3F83];
	_ =	sdelay $0x3  }
0x33: {  	p0 =	seq.s32 s10, $0x1;
	s10 =	sld [smem:$0x3F85];
	_ =	sdelay $0x3  }
0x34: {  	[smem:$0x3F85] =	sst s10  }
0x35: {  	s10 =	sld [smem:$0x3F84];
	_ =	sdelay $0x3  }
0x36: {  	p1 =	seq.s32 s10, $0x1;
	s10 =	sld [smem:$0x3F85];
	_ =	sdelay $0x3  }
0x37: {  	[smem:$0x3F85] =	sst s10  }
0x38: {  	s10 =	sld [smem:$0x3F86]  }
0x39: {  	_ = 	snop;
	(pc) =	sbr.ind lr, $3  }
0x3a: {  	_ = 	snop  }
0x3b: {  	_ = 	snop  }
0x3c: {  	p2 =	seq.s32 s10, $0x1;
	s10 =	sld [smem:$0x3F85]  }
0x3d: {  	_ =	shalt  }
0x3e: {  	_ =	shalt  }
0x3f: {  	_ =	shalt  }
0x40: {  	_ =	shalt  }
0x41: {  	_ =	shalt  }
0x42: {  	_ =	shalt  }
0x43: {  	_ =	shalt  }
0x44: {  	_ =	shalt  }
0x45: {  	_ =	shalt  }
0x46: {  	_ =	shalt  }
0x47: {  	_ =	shalt  }
0x48: {  	_ =	shalt  }
0x49: {  	_ =	shalt  }
0x4a: {  	_ =	shalt  }
0x4b: {  	_ =	shalt  }
0x4c: {  	_ =	shalt  }
0x4d: {  	_ =	shalt  }
0x4e: {  	_ =	shalt  }
0x4f: {  	_ =	shalt  }
0x50: {  	_ =	shalt  }
0x51: {  	_ =	shalt  }
0x52: {  	_ =	shalt  }
0x53: {  	_ =	shalt  }
0x54: {  	_ =	shalt  }
0x55: {  	_ =	shalt  }
0x56: {  	_ =	shalt  }
0x57: {  	_ =	shalt  }
0x58: {  	_ =	shalt  }
0x59: {  	_ =	shalt  }
0x5a: {  	_ =	shalt  }
0x5b: {  	_ =	shalt  }
0x5c: {  	_ =	shalt  }
0x5d: {  	_ =	shalt  }
0x5e: {  	_ =	shalt  }
0x5f: {  	_ =	shalt  }
0x60: {  	_ =	shalt  }
0x61: {  	_ =	shalt  }
0x62: {  	_ =	shalt  }
0x63: {  	_ =	shalt  }
0x64: {  	_ =	shalt  }
0x65: {  	_ =	shalt  }
0x66: {  	_ =	shalt  }
0x67: {  	_ =	shalt  }
0x68: {  	_ =	shalt  }
0x69: {  	_ =	shalt  }
0x6a: {  	_ =	shalt  }
0x6b: {  	_ =	shalt  }
0x6c: {  	_ =	shalt  }
0x6d: {  	_ =	shalt  }
0x6e: {  	_ =	shalt  }
0x6f: {  	_ =	shalt  }
0x70: {  	_ =	shalt  }
0x71: {  	_ =	shalt  }
0x72: {  	_ =	shalt  }
0x73: {  	_ =	shalt  }
0x74: {  	_ =	shalt  }
0x75: {  	_ =	shalt  }
0x76: {  	_ =	shalt  }
0x77: {  	_ =	shalt  }
0x78: {  	_ =	shalt  }
0x79: {  	_ =	shalt  }
0x7a: {  	_ =	shalt  }
0x7b: {  	_ =	shalt  }
0x7c: {  	_ =	shalt  }
0x7d: {  	_ =	shalt  }
0x7e: {  	_ =	shalt  }
0x7f: {  	_ =	shalt  }
0x80: {  	_ =	shalt  }
0x81: {  	_ =	shalt  }
0x82: {  	_ =	shalt  }
0x83: {  	_ =	shalt  }
0x84: {  	_ =	shalt  }
0x85: {  	_ =	shalt  }
0x86: {  	_ =	shalt  }
0x87: {  	_ =	shalt  }
.Lfunc_end0:
.L_simem_size_0:
called_computation.3_lowered:
.L_overlay_start_0:
0x88: {  	s2 =	sld [smem:$0x3FD9]  }
0x89: {  	s3 =	sld [smem:$0x3FFE];
	_ =	sdelay $0x1  }
0x8a: {  	s1 =	srdreg.scid  }
0x8b: {  	s0 =	sand.u32 $0x1, s1  }
0x8c: {  	s17 =	sshll.u32 s0, $0xA;
	s2 =	sadd.s32 s3, s2  }
0x8d: {  	s2 =	sadd.s32 s2, s17  }
0x8e: {  	[smem:$0x3F91] =	sst s2  }
0x8f: {  	_ = 	snop  }
0x90: {  	s2 =	sld [smem:$0x3FD0];
	(tm) =	ssettm $0x1  }
0x91: {  	s18 =	sld [smem:$0x3FFB];
	_ =	sdelay $0x3  }
0x92: {  	_ =	strace s18  }
0x93: {  	s3 =	sld [smem:$0x3FFC];
	_ =	sdelay $0x3  }
0x94: {  	_ =	strace s3  }
0x95: {  	s3 =	sld [smem:$0x3FFD];
	_ =	sdelay $0x3  }
0x96: {  	_ =	strace s3  }
0x97: {  	_ =	strace $0x8FFFFFFF  }
0x98: {  	s19 =	sld [smem:$0x3FDB];
	_ =	sdelay $0x1  }
0x99: {  	s4 =	simm.s32 $_scs_section_size  }
0x9a: {  	s5 =	simm.s32 $_size__tile_overlayer_lowered;
	s6 =	simm.s32 $_tile_overlayer_lowered  }
0x9b: {  	s22 =	simm.s32 $0x1BFF;
	s21 =	sshll.u32 s6, $0x1;
	s3 =	sadd.s32 s4, s19  }
0x9c: {  	s7 =	simm.s32 $0x0;
	s20 =	sshll.u32 s5, $0x1;
	s5 =	sadd.s32 s21, s3  }
0x9d: {  	[timem:s7], [sflag:s22] =	dma.local [hbm:s5], s20  }
0x9e: {  	_ =	swait.ge [sflag:s22], s20  }
0x9f: {  	s4 =	ssub.s32 $0x0, s20;
	[sflag:s22] =	ssyncset.done $0x0  }
0xa0: {  	[sflag:s22] =	ssyncadd.s32 s4;
	_ =	sdelay $0x1  }
0xa1: {  	s23 =	simm.s32 $0x1B8B  }
0xa2: {  	_ =	swait.ge [sflag:s23], $0x1  }
0xa3: {  	[sflag:s23] =	ssyncset.done $0x0  }
0xa4: {  	s25 =	simm.s32 $0x1B8E;
	s24 =	sld [smem:$0x3FFE];
	[sflag:s23] =	ssyncadd.s32 $0xFFFFFFFF  }
0xa5: {  	s26 =	simm.s32 $execute0_lowered;
	[smem:$0x3FD2] =	sst s25  }
0xa6: {  	s5 =	sshll.u32 s26, $0x1;
	_ =	strace $0x80000049;
	[dreg:$0x1] =	wrdreg $0xFFFFFFFF  }
0xa7: {  	s28 =	simm.s32 $_size_execute0_lowered;
	s3 =	sadd.s32 s3, s5;
	[dreg:$0x0] =	wrdreg $0x0  }
0xa8: {  	s5 =	sshll.u32 s28, $0x1;
	[dreg:$0x2] =	wrdreg s3  }
0xa9: {  	[dreg:$0x3] =	wrdreg s5  }
0xaa: {  	[dreg:$0x4] =	wrdreg $0xC0  }
0xab: {  	_ =	task [dreg:s7], $0x5FFFF  }
0xac: {  	[dreg:$0x1] =	wrdreg $0xFFFFFFFF  }
0xad: {  	[dreg:$0x0] =	wrdreg $0x60  }
0xae: {  	[dreg:$0x2] =	wrdreg s24  }
0xaf: {  	[dreg:$0x3] =	wrdreg s2  }
0xb0: {  	[dreg:$0x4] =	wrdreg $0x9  }
0xb1: {  	_ =	task.clear_ibuf [dreg:s7], $0x5FFFF;
	_ =	strace $0x90000049  }
0xb2: {  	s29 =	simm.s32 $0x9;
	_ =	strace $0x8000004B  }
0xb3: {  	_ =	swait.ge [sflag:s29], $0x1  }
0xb4: {  	[sflag:s29] =	ssyncadd.s32 $0xFFFFFFFF  }
0xb5: {  	_ =	strace $0x9000004B  }
0xb6: {  	_ =	sfence  }
0xb7: {  	s30 =	sld [smem:$0x0];
	_ =	sdelay $0x2  }
0xb8: {  	s31 =	sshll.u32 s1, $0xD;
	s1 =	sshrl.u32 s1, $0x2  }
0xb9: {  	s3 =	sand.u32 $0x4000, s31;
	s1 =	sadd.s32 s1, s30  }
0xba: {  	s0 =	sor.u32 s3, s0;
	s1 =	sshll.u32 s1, $0x11  }
0xbb: {  	s0 =	sor.u32 s1, s0  }
0xbc: {  	s0 =	sadd.s32 $0x8F2B, s0  }
0xbd: {  	[sflag:s0] =	ssyncadd.remote.s32 $0x1  }
0xbe: {  	_ =	sfence.sel $0xFFFF  }
0xbf: {  	[dreg:$0x0] =	wrdreg $0xFFFFFFFF;
	(pc) =	sbr.abs _section_cstart, $3  }
0xc0: {  	[dreg:$0x1] =	wrdreg $0xFFFFFFFF  }
0xc1: {  	_ =	task.clear_ibuf [dreg:s7], $0x2FFFF;
	_ =	strace $0x9FFFFFFF  }
0xc2: {  	(tm) =	ssettm $0x7FFFFFFF  }
0xc3: {  	_ =	shalt  }
tec
execute0_lowered:
.L_overlay_start_1:
0x0: {  	(tag) =	ssettag $0x1  }
0x1: {  	s7 =	rddreg [dreg:$0x0]  }
0x2: {  	s2 =	rddreg [dreg:$0x1]  }
0x3: {  	s0 =	rddreg [dreg:$0x2]  }
0x4: {  	s1 =	srdreg.scid;
	_ =	strace $0x8000004A;
	s4 =	simm.s32 $0x1  }
0x5: {  	s9 =	simm.s32 $0x3;
	s12 =	simm.s32 $0x0;
	s5 =	sshll.u32 s1, $0x4  }
.Ltmp0:
0x6: {  	s1 =	stileid.u32;
	s5 =	sand.u32 $0x10, s5;
	(pc) =	sbr.rel .LBB2_1-.Ltmp0, $4  }
0x7: {  	s10 =	simm.s32 $0x0;
	s3 =	sadd.s32 $0x101600, s7;
	s6 =	sor.u32 s1, s5  }
0x8: {  	[sflag:s4] =	ssyncpa.u1 $0x0;
	s5 =	simm.s32 $0x2;
	s6 =	sshll.u32 s6, $0x8  }
0x9: {  	s7 =	sadd.s32 $0x143A00, s7;
	[sflag:s5] =	ssyncpa.u1 $0x0;
	s8 =	sadd.s32 $0x100, s6  }
0xa: {  	vm0 =	vmmov $0xff;
	vm1 =	vcmask $0x3F20;
	[sflag:s9] =	ssyncpa.u1 $0x0;
	s9 =	simm.s32 $0x100;
	s11 =	smov.u32 s6  }
.LBB2_9:
0xb: {  	p0 =	seq.s32 s10, $0x2  }
.Ltmp1:
0xc: {  	_ = 	snop;
	(pc) =	sbr.rel @p0 .LBB2_11-.Ltmp1, $1  }
0xd: {  	_ =	sdelay $0x3  }
.LBB2_10:
0xe: {  	s12 =	sadd.s32 $0x100, s11  }
0xf: {  	s13 =	smov.u32 s6;
	p0 =	slt.s32 s12, s8  }
0x10: {  	s13 =	smov.u32 @p0 s12  }
0x11: {  	s10 =	sadd.s32 $0x1, s10;
	s12 =	smov.u32 s11;
	s11 =	smov.u32 s13  }
.LBB2_1:
0x12: {  	p0 =	sne.s32 s10, $0x0  }
.Ltmp2:
0x13: {  	_ = 	snop;
	(pc) =	sbr.rel @!p0 .LBB2_2-.Ltmp2, $1  }
0x14: {  	_ =	sdelay $0x3  }
0x15: {  	s13 =	sand.u32 $0x1, s10  }
0x16: {  	p0 =	seq.s32 s13, $0x0  }
.Ltmp3:
0x17: {  	_ = 	snop;
	(pc) =	sbr.rel @p0 .LBB2_9-.Ltmp3, $1  }
0x18: {  	_ =	sdelay $0x3  }
0x19: {  	_ =	swait.ge [sflag:s5], $0x100  }
0x1a: {  	[sflag:s5] =	ssyncset.done $0x0  }
0x1b: {  	s13 =	simm.s32 $0x0;
	[sflag:s5] =	ssyncadd.s32 $0xFFFFFF00  }
0x1c: {  	v0 =	vld.msk [tilespmem:s13+$0x100 ss:$0x1], $0xffff;
	_ =	sdelay $0x4  }
0x1d: {  	v1 =	vshll.u32 v0, $0x2  }
0x1e: {  	vm2 =	veq.s32 v0, $0x80000000;
	v0 =	vshll.u32 v0, $0x10;
	v1 =	vand.u32 $0xFF80, v1  }
0x1f: {  	v0 =	vand.u32 $0x1F0000, v0;
	v1 =	vsel vm2, $0xFFFFFF80, v1  }
0x20: {  	v0 =	vsel vm2, $0xFFFF0000, v0;
	v2 =	vand.u32 $0xFFFFFC00, v1  }
0x21: {  	v1 =	vand.u32 $0x380, v1;
	v0 =	vadd.s32 v0, v2  }
0x22: {  	v0 =	vor.u32 v1, v0  }
0x23: {  	v0 =	vshrl.u32 v0, $0x3;
	_ =	sdelay $0x3  }
0x24: {  	s13 =	simm.s32 $0x8200  }
0x25: {  	[tilespmem:s13], [sflag:$0x1] =	stream.indirect_vreg.gather [hbm:s3], $0x80, v0, vm0, $0x38;
	[tilespmem:$0x10200] =	vst v63  }
0x26: {  	s14 =	simm.s32 $0x8600;
	s31 =	simm.s32 $0x10  }
0x27: {  	[tilespmem:s14], [sflag:$0x1] =	stream.indirect_vreg.gather [hbm:s3], $0x80, v0, vm1, $0x38;
	[tilespmem:$0x10200] =	vst v63  }
0x28: {  	s14 =	simm.s32 $0x80;
	v0 =	vld.msk [tilespmem:s31+$0x100 ss:$0x1], $0xffff  }
.LBB2_5:
0x29: {  	p0 =	sne.s32 s14, $0x3C0;
	_ =	sdelay $0x4  }
0x2a: {  	v1 =	vshll.u32 v0, $0x2  }
0x2b: {  	vm2 =	veq.s32 v0, $0x80000000;
	v0 =	vshll.u32 v0, $0x10;
	v1 =	vand.u32 $0xFF80, v1  }
0x2c: {  	v0 =	vand.u32 $0x1F0000, v0;
	v1 =	vsel vm2, $0xFFFFFF80, v1  }
0x2d: {  	v0 =	vsel vm2, $0xFFFF0000, v0;
	v2 =	vand.u32 $0xFFFFFC00, v1  }
0x2e: {  	v1 =	vand.u32 $0x380, v1;
	v0 =	vadd.s32 v0, v2  }
0x2f: {  	v0 =	vor.u32 v1, v0  }
0x30: {  	v0 =	vshrl.u32 v0, $0x3;
	_ =	sdelay $0x3  }
.Ltmp4:
0x31: {  	s13 =	sadd.s32 $0x800, s13;
	(pc) =	sbr.rel @p0 .LBB2_5-.Ltmp4, $4  }
0x32: {  	[tilespmem:s13], [sflag:$0x1] =	stream.indirect_vreg.gather [hbm:s3], $0x80, v0, vm0, $0x38;
	[tilespmem:$0x10200] =	vst v63  }
0x33: {  	s15 =	sshra.s32 s14, $0x2;
	s16 =	sadd.s32 $0x400, s13  }
0x34: {  	[tilespmem:s16], [sflag:$0x1] =	stream.indirect_vreg.gather [hbm:s3], $0x80, v0, vm1, $0x38;
	[tilespmem:$0x10200] =	vst v63  }
0x35: {  	s14 =	sadd.s32 $0x40, s14;
	v0 =	vld.msk [tilespmem:s15+$0x100 ss:$0x1], $0xffff  }
0x36: {  	_ =	sdelay $0x3  }
0x37: {  	v1 =	vshll.u32 v0, $0x2  }
0x38: {  	vm2 =	veq.s32 v0, $0x80000000;
	v63 =	vshll.u32 v0, $0x10;
	v1 =	vand.u32 $0xFF80, v1  }
0x39: {  	v0 =	vand.u32 $0x1F0000, v63;
	v1 =	vsel vm2, $0xFFFFFF80, v1  }
0x3a: {  	v0 =	vsel vm2, $0xFFFF0000, v0;
	v2 =	vand.u32 $0xFFFFFC00, v1  }
0x3b: {  	v1 =	vand.u32 $0x380, v1;
	v0 =	vadd.s32 v0, v2  }
0x3c: {  	v0 =	vor.u32 v1, v0  }
0x3d: {  	v0 =	vshrl.u32 v0, $0x3;
	_ =	sdelay $0x3  }
0x3e: {  	s13 =	sadd.s32 $0x800, s13  }
0x3f: {  	[tilespmem:s13], [sflag:$0x1] =	stream.indirect_vreg.gather [hbm:s3], $0x80, v0, vm0, $0x38;
	[tilespmem:$0x10200] =	vst v63  }
0x40: {  	s13 =	sadd.s32 $0x400, s13  }
0x41: {  	[tilespmem:s13], [sflag:$0x1] =	stream.indirect_vreg.gather [hbm:s3], $0x80, v0, vm1, $0x38;
	[tilespmem:$0x10200] =	vst v63  }
0x42: {  	s12 =	sshll.u32 s12, $0x4;
	s14 =	simm.s32 $0x80;
	_ =	swait.ge [sflag:s4], $0x8000  }
0x43: {  	s15 =	simm.s32 $0x8600;
	s12 =	sadd.s32 s12, s7;
	[sflag:s4] =	ssyncset.done $0x0  }
0x44: {  	s16 =	sadd.s32 $0x0, s12;
	s13 =	simm.s32 $0x8200;
	[sflag:s4] =	ssyncadd.s32 $0xFFFF8000  }
.LBB2_7:
0x45: {  	[hbm:s16] =	stream.linear.scatter [tilespmem:s13], [sflag:$0x3], $0x400, $0x38;
	[tilespmem:$0x10200] =	vst v63  }
0x46: {  	s16 =	smov.u32 s14;
	s13 =	smov.u32 s15;
	p0 =	sne.s32 s14, $0xF80  }
.Ltmp5:
0x47: {  	s14 =	sadd.s32 $0x80, s14;
	(pc) =	sbr.rel @p0 .LBB2_7-.Ltmp5, $2  }
0x48: {  	_ =	sdelay $0x2  }
0x49: {  	s15 =	sadd.s32 $0x400, s15;
	s16 =	sadd.s32 s16, s12  }
.Ltmp6:
0x4a: {  	(pc) =	sbr.rel .LBB2_9-.Ltmp6, $2  }
0x4b: {  	_ =	sdelay $0x2  }
0x4c: {  	[hbm:s16] =	stream.linear.scatter [tilespmem:s13], [sflag:$0x3], $0x400, $0x38;
	[tilespmem:$0x10200] =	vst v63  }
.LBB2_2:
.Ltmp7:
0x4d: {  	(pc) =	sbr.rel .LBB2_10-.Ltmp7, $4  }
0x4e: {  	_ = 	snop  }
0x4f: {  	s12 =	sshrl.u32 s11, $0x3  }
0x50: {  	s13 =	sand.u32 $0x7, s11;
	s12 =	sadd.s32 s2, s12  }
0x51: {  	[tilespmem:s9], [sflag:$0x2] =	stream.linear.gather [hbm4b:s12+s13], $0x100, $0x38;
	[tilespmem:$0x10200] =	vst v63  }
.LBB2_11:
0x52: {  	s2 =	simm.s32 $0x3  }
0x53: {  	_ =	swait.ge [sflag:s2], $0x8000  }
0x54: {  	[sflag:s2] =	ssyncset.done $0x0  }
0x55: {  	[sflag:s2] =	ssyncadd.s32 $0xFFFF8000  }
0x56: {  	_ =	sfence.sel $0x180000  }
0x57: {  	s3 =	simm.s32 $0x2;
	[bflag:$0x0] =	sbarrier.arrive $0xFFFF  }
0x58: {  	[sflag:s3] =	ssyncpa.u1 $0x1  }
0x59: {  	s31 =	simm.s32 $0x1;
	[sflag:s2] =	ssyncpa.u1 $0x1  }
0x5a: {  	[sflag:s31] =	ssyncpa.u1 $0x1  }
0x5b: {  	p0 =	sne.s32 s1, $0x0;
	_ =	strace $0x9000004A  }
0x5c: {  	s0 =	sadd.s32 @!p0 $0x100000, s0;
	[bflag:$0x2] =	sbarrier.arrive $0xFFFF  }
0x5d: {  	[sflag:s0] =	ssyncadd.tile.s32 @!p0 $0x1;
	_ =	shalt  }
.Lfunc_end2:
_tile_overlayer_lowered:
.L_overlay_start_2:
0x5e: {  	(tag) =	ssettag $0x2  }
0x5f: {  	s0 =	rddreg [dreg:$0x0];
	s2 =	stileid.u32  }
0x60: {  	s1 =	rddreg [dreg:$0x1];
	p0 =	sne.s32 s2, $0x0  }
0x61: {  	s3 =	rddreg [dreg:$0x2];
	[bflag:$0x3] =	sbarrier.arrive $0xFFFF;
	s2 =	simm.s32 @!p0 $0x1C01  }
0x62: {  	[timem:s3], [sflag:s2] =	dma.local @!p0 [hbm:s0], s1  }
0x63: {  	s0 =	simm.s32 @!p0 $0x1  }
0x64: {  	_ =	swait.ge @!p0 [sflag:s0], s1  }
0x65: {  	s1 =	ssub.s32 @!p0 $0x0, s1;
	[sflag:s0] =	ssyncset.done @!p0 $0x0  }
0x66: {  	[sflag:s0] =	ssyncadd.s32 @!p0 s1  }
0x67: {  	[bflag:$0x3] =	sbarrier.arrive $0xFFFF  }
0x68: {  	_ =	shalt  }

// kernel: gather_offload_async_start.2
scs
__scs_entry_jumppad:
0x0: {  	(pc) =	sbr.rel $0x88, $3  }
0x1: {  	(tag) =	ssettag $0x0;
	lr =	simm.s32 $0x1  }
0x2: {  	[smem:$0x3F6A] =	sst lr;
	_ =	strace $0xD0000000  }
0x3: {  	_ = 	snop  }
0x4: {  	_ = 	snop  }
0x5: {  	_ = 	snop  }
0x6: {  	_ = 	snop  }
0x7: {  	_ = 	snop  }
__scs_overlays_trampoline_lowered:
0x8: {  	[smem:$0x3F79] =	sst s0  }
0x9: {  	[smem:$0x3F7A] =	sst s1  }
0xa: {  	[smem:$0x3F7B] =	sst s2  }
0xb: {  	[smem:$0x3F7C] =	sst s3  }
0xc: {  	[smem:$0x3F7D] =	sst s4  }
0xd: {  	[smem:$0x3F7E] =	sst s5  }
0xe: {  	[smem:$0x3F7F] =	sst s6  }
0xf: {  	[smem:$0x3F80] =	sst s7  }
0x10: {  	[smem:$0x3F81] =	sst s8  }
0x11: {  	[smem:$0x3F82] =	sst s9;
	s0 =	simm.s32 @!p0 $0x0  }
0x12: {  	s1 =	sld [smem:$0x3F68];
	s0 =	simm.s32 @p0 $0x1  }
0x13: {  	[smem:$0x3F83] =	sst s0;
	s0 =	simm.s32 @!p1 $0x0  }
0x14: {  	s2 =	sld [smem:$0x3F67];
	s0 =	simm.s32 @p1 $0x1  }
0x15: {  	[smem:$0x3F84] =	sst s0;
	s0 =	simm.s32 @!p2 $0x0  }
0x16: {  	s3 =	sld [smem:$0x3FDB];
	s0 =	simm.s32 @p2 $0x1  }
0x17: {  	s4 =	simm.s32 $0x1BF5;
	[smem:$0x3F86] =	sst s0  }
0x18: {  	s0 =	sld [smem:$0x3F69];
	_ =	swait.ge [sflag:s4], $0x0  }
0x19: {  	s7 =	sld [smem:$0x3F6A]  }
0x1a: {  	s8 =	sadd.s32 $0xFFFFE003, lr  }
0x1b: {  	s9 =	sadd.s32 $0xFFFFFEF7, lr;
	s5 =	simm.s32 $0xFFFFFFFF;
	p2 =	slt.u32 s8, $0xFFFFF086  }
0x1c: {  	p1 =	slt.u32 s9, $0xF7A;
	s5 =	simm.s32 @!p2 $0x0  }
0x1d: {  	s5 =	simm.s32 @p1 $0x1;
	p0 =	seq.s32 s7, s2  }
0x1e: {  	s7 =	smul.u32 @!p0 $0xF7A, s2;
	p2 =	seq.s32 @!p0 s5, $0x0  }
0x1f: {  	s9 =	smul.u32 $0xF7A, s1;
	s8 =	simm.s32 @!p0 $0x1BF5;
	p2 =	por !p2, p0  }
0x20: {  	[sflag:s8] =	ssyncset.s32 @!p0 $0xFFFFF086;
	s6 =	sadd.s32 @!p0 s3, s7;
	s7 =	simm.s32 @!p0 $0x108  }
0x21: {  	s3 =	sadd.s32 s3, s9;
	s6 =	sadd.s32 @!p0 $0x88, s6;
	s7 =	simm.s32 @p2 $0x1082  }
0x22: {  	[simem:s7], [sflag:s8] =	dma.local @!p0 [hbm:s6], $0xF7A  }
0x23: {  	s9 =	sor.u32 $0xD0000000, s2;
	s6 =	simm.s32 $0x108;
	_ =	swait.ge @!p0 [sflag:s8], $0x0  }
0x24: {  	s3 =	sadd.s32 $0x88, s3;
	s6 =	simm.s32 @!p1 $0x1082;
	[sflag:s4] =	ssyncset.s32 $0xFFFFF086  }
0x25: {  	[simem:s6], [sflag:s4] =	dma.local [hbm:s3], $0xF7A  }
0x26: {  	[smem:$0x3F6A] =	sst s1;
	(tag) =	ssettag s2;
	_ =	strace s9  }
0x27: {  	s1 =	sld [smem:$0x3F7A]  }
0x28: {  	s2 =	sld [smem:$0x3F7B]  }
0x29: {  	s4 =	sld [smem:$0x3F7D]  }
0x2a: {  	p0 =	seq.s32 s5, $0x0;
	s5 =	sld [smem:$0x3F7E]  }
0x2b: {  	s6 =	sld [smem:$0x3F7F]  }
0x2c: {  	s7 =	sld [smem:$0x3F80]  }
0x2d: {  	s3 =	simm.s32 $0x108;
	s8 =	sld [smem:$0x3F81]  }
0x2e: {  	s3 =	simm.s32 @!p0 $0x1082;
	s9 =	sld [smem:$0x3F82]  }
0x2f: {  	lr =	sadd.s32 s0, s3;
	s0 =	sld [smem:$0x3F79]  }
0x30: {  	s3 =	sld [smem:$0x3F7C]  }
0x31: {  	[smem:$0x3F85] =	sst s10  }
0x32: {  	s10 =	sld [smem:$0x3F83];
	_ =	sdelay $0x3  }
0x33: {  	p0 =	seq.s32 s10, $0x1;
	s10 =	sld [smem:$0x3F85];
	_ =	sdelay $0x3  }
0x34: {  	[smem:$0x3F85] =	sst s10  }
0x35: {  	s10 =	sld [smem:$0x3F84];
	_ =	sdelay $0x3  }
0x36: {  	p1 =	seq.s32 s10, $0x1;
	s10 =	sld [smem:$0x3F85];
	_ =	sdelay $0x3  }
0x37: {  	[smem:$0x3F85] =	sst s10  }
0x38: {  	s10 =	sld [smem:$0x3F86]  }
0x39: {  	_ = 	snop;
	(pc) =	sbr.ind lr, $3  }
0x3a: {  	_ = 	snop  }
0x3b: {  	_ = 	snop  }
0x3c: {  	p2 =	seq.s32 s10, $0x1;
	s10 =	sld [smem:$0x3F85]  }
0x3d: {  	_ =	shalt  }
0x3e: {  	_ =	shalt  }
0x3f: {  	_ =	shalt  }
0x40: {  	_ =	shalt  }
0x41: {  	_ =	shalt  }
0x42: {  	_ =	shalt  }
0x43: {  	_ =	shalt  }
0x44: {  	_ =	shalt  }
0x45: {  	_ =	shalt  }
0x46: {  	_ =	shalt  }
0x47: {  	_ =	shalt  }
0x48: {  	_ =	shalt  }
0x49: {  	_ =	shalt  }
0x4a: {  	_ =	shalt  }
0x4b: {  	_ =	shalt  }
0x4c: {  	_ =	shalt  }
0x4d: {  	_ =	shalt  }
0x4e: {  	_ =	shalt  }
0x4f: {  	_ =	shalt  }
0x50: {  	_ =	shalt  }
0x51: {  	_ =	shalt  }
0x52: {  	_ =	shalt  }
0x53: {  	_ =	shalt  }
0x54: {  	_ =	shalt  }
0x55: {  	_ =	shalt  }
0x56: {  	_ =	shalt  }
0x57: {  	_ =	shalt  }
0x58: {  	_ =	shalt  }
0x59: {  	_ =	shalt  }
0x5a: {  	_ =	shalt  }
0x5b: {  	_ =	shalt  }
0x5c: {  	_ =	shalt  }
0x5d: {  	_ =	shalt  }
0x5e: {  	_ =	shalt  }
0x5f: {  	_ =	shalt  }
0x60: {  	_ =	shalt  }
0x61: {  	_ =	shalt  }
0x62: {  	_ =	shalt  }
0x63: {  	_ =	shalt  }
0x64: {  	_ =	shalt  }
0x65: {  	_ =	shalt  }
0x66: {  	_ =	shalt  }
0x67: {  	_ =	shalt  }
0x68: {  	_ =	shalt  }
0x69: {  	_ =	shalt  }
0x6a: {  	_ =	shalt  }
0x6b: {  	_ =	shalt  }
0x6c: {  	_ =	shalt  }
0x6d: {  	_ =	shalt  }
0x6e: {  	_ =	shalt  }
0x6f: {  	_ =	shalt  }
0x70: {  	_ =	shalt  }
0x71: {  	_ =	shalt  }
0x72: {  	_ =	shalt  }
0x73: {  	_ =	shalt  }
0x74: {  	_ =	shalt  }
0x75: {  	_ =	shalt  }
0x76: {  	_ =	shalt  }
0x77: {  	_ =	shalt  }
0x78: {  	_ =	shalt  }
0x79: {  	_ =	shalt  }
0x7a: {  	_ =	shalt  }
0x7b: {  	_ =	shalt  }
0x7c: {  	_ =	shalt  }
0x7d: {  	_ =	shalt  }
0x7e: {  	_ =	shalt  }
0x7f: {  	_ =	shalt  }
0x80: {  	_ =	shalt  }
0x81: {  	_ =	shalt  }
0x82: {  	_ =	shalt  }
0x83: {  	_ =	shalt  }
0x84: {  	_ =	shalt  }
0x85: {  	_ =	shalt  }
0x86: {  	_ =	shalt  }
0x87: {  	_ =	shalt  }
.Lfunc_end0:
.L_simem_size_0:
called_computation.4_lowered:
.L_overlay_start_0:
0x88: {  	s2 =	sld [smem:$0x3FD9]  }
0x89: {  	s3 =	sld [smem:$0x3FFE];
	_ =	sdelay $0x1  }
0x8a: {  	s1 =	srdreg.scid  }
0x8b: {  	s0 =	sand.u32 $0x1, s1  }
0x8c: {  	s17 =	sshll.u32 s0, $0xA;
	s2 =	sadd.s32 s3, s2  }
0x8d: {  	s2 =	sadd.s32 s2, s17  }
0x8e: {  	[smem:$0x3F91] =	sst s2  }
0x8f: {  	_ = 	snop  }
0x90: {  	s2 =	sld [smem:$0x3FD0];
	(tm) =	ssettm $0x1  }
0x91: {  	s18 =	sld [smem:$0x3FFB];
	_ =	sdelay $0x3  }
0x92: {  	_ =	strace s18  }
0x93: {  	s3 =	sld [smem:$0x3FFC];
	_ =	sdelay $0x3  }
0x94: {  	_ =	strace s3  }
0x95: {  	s3 =	sld [smem:$0x3FFD];
	_ =	sdelay $0x3  }
0x96: {  	_ =	strace s3  }
0x97: {  	_ =	strace $0x8FFFFFFF  }
0x98: {  	s19 =	sld [smem:$0x3FDB];
	_ =	sdelay $0x1  }
0x99: {  	s4 =	simm.s32 $_scs_section_size  }
0x9a: {  	s5 =	simm.s32 $_size__tile_overlayer_lowered;
	s6 =	simm.s32 $_tile_overlayer_lowered  }
0x9b: {  	s22 =	simm.s32 $0x1BFF;
	s21 =	sshll.u32 s6, $0x1;
	s3 =	sadd.s32 s4, s19  }
0x9c: {  	s7 =	simm.s32 $0x0;
	s20 =	sshll.u32 s5, $0x1;
	s5 =	sadd.s32 s21, s3  }
0x9d: {  	[timem:s7], [sflag:s22] =	dma.local [hbm:s5], s20  }
0x9e: {  	_ =	swait.ge [sflag:s22], s20  }
0x9f: {  	s4 =	ssub.s32 $0x0, s20;
	[sflag:s22] =	ssyncset.done $0x0  }
0xa0: {  	[sflag:s22] =	ssyncadd.s32 s4;
	_ =	sdelay $0x1  }
0xa1: {  	s23 =	simm.s32 $0x1B8B  }
0xa2: {  	_ =	swait.ge [sflag:s23], $0x1  }
0xa3: {  	[sflag:s23] =	ssyncset.done $0x0  }
0xa4: {  	s25 =	simm.s32 $0x1B8E;
	s24 =	sld [smem:$0x3FFE];
	[sflag:s23] =	ssyncadd.s32 $0xFFFFFFFF  }
0xa5: {  	s26 =	simm.s32 $execute0_lowered;
	[smem:$0x3FD2] =	sst s25  }
0xa6: {  	s5 =	sshll.u32 s26, $0x1;
	_ =	strace $0x8000004C;
	[dreg:$0x1] =	wrdreg $0xFFFFFFFF  }
0xa7: {  	s28 =	simm.s32 $_size_execute0_lowered;
	s3 =	sadd.s32 s3, s5;
	[dreg:$0x0] =	wrdreg $0x0  }
0xa8: {  	s5 =	sshll.u32 s28, $0x1;
	[dreg:$0x2] =	wrdreg s3  }
0xa9: {  	[dreg:$0x3] =	wrdreg s5  }
0xaa: {  	[dreg:$0x4] =	wrdreg $0xC0  }
0xab: {  	_ =	task [dreg:s7], $0x5FFFF  }
0xac: {  	[dreg:$0x1] =	wrdreg $0xFFFFFFFF  }
0xad: {  	[dreg:$0x0] =	wrdreg $0x60  }
0xae: {  	[dreg:$0x2] =	wrdreg s24  }
0xaf: {  	[dreg:$0x3] =	wrdreg s2  }
0xb0: {  	[dreg:$0x4] =	wrdreg $0xA  }
0xb1: {  	_ =	task.clear_ibuf [dreg:s7], $0x5FFFF;
	_ =	strace $0x9000004C  }
0xb2: {  	s29 =	simm.s32 $0xA;
	_ =	strace $0x8000004E  }
0xb3: {  	_ =	swait.ge [sflag:s29], $0x1  }
0xb4: {  	[sflag:s29] =	ssyncadd.s32 $0xFFFFFFFF  }
0xb5: {  	_ =	strace $0x9000004E  }
0xb6: {  	_ =	sfence  }
0xb7: {  	s30 =	sld [smem:$0x0];
	_ =	sdelay $0x2  }
0xb8: {  	s31 =	sshll.u32 s1, $0xD;
	s1 =	sshrl.u32 s1, $0x2  }
0xb9: {  	s3 =	sand.u32 $0x4000, s31;
	s1 =	sadd.s32 s1, s30  }
0xba: {  	s0 =	sor.u32 s3, s0;
	s1 =	sshll.u32 s1, $0x11  }
0xbb: {  	s0 =	sor.u32 s1, s0  }
0xbc: {  	s0 =	sadd.s32 $0x8F2B, s0  }
0xbd: {  	[sflag:s0] =	ssyncadd.remote.s32 $0x1  }
0xbe: {  	_ =	sfence.sel $0xFFFF  }
0xbf: {  	[dreg:$0x0] =	wrdreg $0xFFFFFFFF;
	(pc) =	sbr.abs _section_cstart, $3  }
0xc0: {  	[dreg:$0x1] =	wrdreg $0xFFFFFFFF  }
0xc1: {  	_ =	task.clear_ibuf [dreg:s7], $0x2FFFF;
	_ =	strace $0x9FFFFFFF  }
0xc2: {  	(tm) =	ssettm $0x7FFFFFFF  }
0xc3: {  	_ =	shalt  }
tec
execute0_lowered:
.L_overlay_start_1:
0x0: {  	(tag) =	ssettag $0x1  }
0x1: {  	s7 =	rddreg [dreg:$0x0]  }
0x2: {  	s2 =	rddreg [dreg:$0x1]  }
0x3: {  	s0 =	rddreg [dreg:$0x2]  }
0x4: {  	s1 =	srdreg.scid;
	_ =	strace $0x8000004D;
	s4 =	simm.s32 $0x1  }
0x5: {  	s9 =	simm.s32 $0x3;
	s12 =	simm.s32 $0x0;
	s5 =	sshll.u32 s1, $0x4  }
.Ltmp0:
0x6: {  	s1 =	stileid.u32;
	s5 =	sand.u32 $0x10, s5;
	(pc) =	sbr.rel .LBB2_1-.Ltmp0, $4  }
0x7: {  	s10 =	simm.s32 $0x0;
	s3 =	sadd.s32 $0x143A00, s7;
	s6 =	sor.u32 s1, s5  }
0x8: {  	[sflag:s4] =	ssyncpa.u1 $0x0;
	s5 =	simm.s32 $0x2;
	s6 =	sshll.u32 s6, $0x7  }
0x9: {  	s7 =	sadd.s32 $0x163A00, s7;
	[sflag:s5] =	ssyncpa.u1 $0x0;
	s8 =	sadd.s32 $0x80, s6  }
0xa: {  	vm0 =	vmmov $0xff;
	vm1 =	vcmask $0x3F20;
	[sflag:s9] =	ssyncpa.u1 $0x0;
	s9 =	simm.s32 $0x80;
	s11 =	smov.u32 s6  }
.LBB2_9:
0xb: {  	p0 =	seq.s32 s10, $0x2  }
.Ltmp1:
0xc: {  	_ = 	snop;
	(pc) =	sbr.rel @p0 .LBB2_11-.Ltmp1, $1  }
0xd: {  	_ =	sdelay $0x3  }
.LBB2_10:
0xe: {  	s12 =	sadd.s32 $0x80, s11  }
0xf: {  	s13 =	smov.u32 s6;
	p0 =	slt.s32 s12, s8  }
0x10: {  	s13 =	smov.u32 @p0 s12  }
0x11: {  	s10 =	sadd.s32 $0x1, s10;
	s12 =	smov.u32 s11;
	s11 =	smov.u32 s13  }
.LBB2_1:
0x12: {  	p0 =	sne.s32 s10, $0x0  }
.Ltmp2:
0x13: {  	_ = 	snop;
	(pc) =	sbr.rel @!p0 .LBB2_2-.Ltmp2, $1  }
0x14: {  	_ =	sdelay $0x3  }
0x15: {  	s13 =	sand.u32 $0x1, s10  }
0x16: {  	p0 =	seq.s32 s13, $0x0  }
.Ltmp3:
0x17: {  	_ = 	snop;
	(pc) =	sbr.rel @p0 .LBB2_9-.Ltmp3, $1  }
0x18: {  	_ =	sdelay $0x3  }
0x19: {  	_ =	swait.ge [sflag:s5], $0x80  }
0x1a: {  	[sflag:s5] =	ssyncset.done $0x0  }
0x1b: {  	s13 =	simm.s32 $0x0;
	[sflag:s5] =	ssyncadd.s32 $0xFFFFFF80  }
0x1c: {  	v0 =	vld.msk [tilespmem:s13+$0x80 ss:$0x1], $0xffff;
	_ =	sdelay $0x4  }
0x1d: {  	v1 =	vshll.u32 v0, $0x2  }
0x1e: {  	vm2 =	veq.s32 v0, $0x80000000;
	v0 =	vshll.u32 v0, $0xF;
	v1 =	vand.u32 $0x7F80, v1  }
0x1f: {  	v0 =	vand.u32 $0xF8000, v0;
	v1 =	vsel vm2, $0xFFFFFF80, v1  }
0x20: {  	v0 =	vsel vm2, $0xFFFF8000, v0;
	v2 =	vand.u32 $0xFFFFFC00, v1  }
0x21: {  	v1 =	vand.u32 $0x380, v1;
	v0 =	vadd.s32 v0, v2  }
0x22: {  	v0 =	vor.u32 v1, v0  }
0x23: {  	v0 =	vshrl.u32 v0, $0x3;
	_ =	sdelay $0x3  }
0x24: {  	s13 =	simm.s32 $0x4100  }
0x25: {  	[tilespmem:s13], [sflag:$0x1] =	stream.indirect_vreg.gather [hbm:s3], $0x80, v0, vm0, $0x38;
	[tilespmem:$0x8100] =	vst v63  }
0x26: {  	s14 =	simm.s32 $0x4500;
	s31 =	simm.s32 $0x10  }
0x27: {  	[tilespmem:s14], [sflag:$0x1] =	stream.indirect_vreg.gather [hbm:s3], $0x80, v0, vm1, $0x38;
	[tilespmem:$0x8100] =	vst v63  }
0x28: {  	s14 =	simm.s32 $0x80;
	v0 =	vld.msk [tilespmem:s31+$0x80 ss:$0x1], $0xffff  }
.LBB2_5:
0x29: {  	p0 =	sne.s32 s14, $0x1C0;
	_ =	sdelay $0x4  }
0x2a: {  	v1 =	vshll.u32 v0, $0x2  }
0x2b: {  	vm2 =	veq.s32 v0, $0x80000000;
	v0 =	vshll.u32 v0, $0xF;
	v1 =	vand.u32 $0x7F80, v1  }
0x2c: {  	v0 =	vand.u32 $0xF8000, v0;
	v1 =	vsel vm2, $0xFFFFFF80, v1  }
0x2d: {  	v0 =	vsel vm2, $0xFFFF8000, v0;
	v2 =	vand.u32 $0xFFFFFC00, v1  }
0x2e: {  	v1 =	vand.u32 $0x380, v1;
	v0 =	vadd.s32 v0, v2  }
0x2f: {  	v0 =	vor.u32 v1, v0  }
0x30: {  	v0 =	vshrl.u32 v0, $0x3;
	_ =	sdelay $0x3  }
.Ltmp4:
0x31: {  	s13 =	sadd.s32 $0x800, s13;
	(pc) =	sbr.rel @p0 .LBB2_5-.Ltmp4, $4  }
0x32: {  	[tilespmem:s13], [sflag:$0x1] =	stream.indirect_vreg.gather [hbm:s3], $0x80, v0, vm0, $0x38;
	[tilespmem:$0x8100] =	vst v63  }
0x33: {  	s15 =	sshra.s32 s14, $0x2;
	s16 =	sadd.s32 $0x400, s13  }
0x34: {  	[tilespmem:s16], [sflag:$0x1] =	stream.indirect_vreg.gather [hbm:s3], $0x80, v0, vm1, $0x38;
	[tilespmem:$0x8100] =	vst v63  }
0x35: {  	s14 =	sadd.s32 $0x40, s14;
	v0 =	vld.msk [tilespmem:s15+$0x80 ss:$0x1], $0xffff  }
0x36: {  	_ =	sdelay $0x3  }
0x37: {  	v1 =	vshll.u32 v0, $0x2  }
0x38: {  	vm2 =	veq.s32 v0, $0x80000000;
	v63 =	vshll.u32 v0, $0xF;
	v1 =	vand.u32 $0x7F80, v1  }
0x39: {  	v0 =	vand.u32 $0xF8000, v63;
	v1 =	vsel vm2, $0xFFFFFF80, v1  }
0x3a: {  	v0 =	vsel vm2, $0xFFFF8000, v0;
	v2 =	vand.u32 $0xFFFFFC00, v1  }
0x3b: {  	v1 =	vand.u32 $0x380, v1;
	v0 =	vadd.s32 v0, v2  }
0x3c: {  	v0 =	vor.u32 v1, v0  }
0x3d: {  	v0 =	vshrl.u32 v0, $0x3;
	_ =	sdelay $0x3  }
0x3e: {  	s13 =	sadd.s32 $0x800, s13  }
0x3f: {  	[tilespmem:s13], [sflag:$0x1] =	stream.indirect_vreg.gather [hbm:s3], $0x80, v0, vm0, $0x38;
	[tilespmem:$0x8100] =	vst v63  }
0x40: {  	s13 =	sadd.s32 $0x400, s13  }
0x41: {  	[tilespmem:s13], [sflag:$0x1] =	stream.indirect_vreg.gather [hbm:s3], $0x80, v0, vm1, $0x38;
	[tilespmem:$0x8100] =	vst v63  }
0x42: {  	s12 =	sshll.u32 s12, $0x4;
	s14 =	simm.s32 $0x80;
	_ =	swait.ge [sflag:s4], $0x4000  }
0x43: {  	s15 =	simm.s32 $0x4500;
	s12 =	sadd.s32 s12, s7;
	[sflag:s4] =	ssyncset.done $0x0  }
0x44: {  	s16 =	sadd.s32 $0x0, s12;
	s13 =	simm.s32 $0x4100;
	[sflag:s4] =	ssyncadd.s32 $0xFFFFC000  }
.LBB2_7:
0x45: {  	[hbm:s16] =	stream.linear.scatter [tilespmem:s13], [sflag:$0x3], $0x400, $0x38;
	[tilespmem:$0x8100] =	vst v63  }
0x46: {  	s16 =	smov.u32 s14;
	s13 =	smov.u32 s15;
	p0 =	sne.s32 s14, $0x780  }
.Ltmp5:
0x47: {  	s14 =	sadd.s32 $0x80, s14;
	(pc) =	sbr.rel @p0 .LBB2_7-.Ltmp5, $2  }
0x48: {  	_ =	sdelay $0x2  }
0x49: {  	s15 =	sadd.s32 $0x400, s15;
	s16 =	sadd.s32 s16, s12  }
.Ltmp6:
0x4a: {  	(pc) =	sbr.rel .LBB2_9-.Ltmp6, $2  }
0x4b: {  	_ =	sdelay $0x2  }
0x4c: {  	[hbm:s16] =	stream.linear.scatter [tilespmem:s13], [sflag:$0x3], $0x400, $0x38;
	[tilespmem:$0x8100] =	vst v63  }
.LBB2_2:
.Ltmp7:
0x4d: {  	(pc) =	sbr.rel .LBB2_10-.Ltmp7, $4  }
0x4e: {  	_ = 	snop  }
0x4f: {  	s12 =	sshrl.u32 s11, $0x3  }
0x50: {  	s13 =	sand.u32 $0x7, s11;
	s12 =	sadd.s32 s2, s12  }
0x51: {  	[tilespmem:s9], [sflag:$0x2] =	stream.linear.gather [hbm4b:s12+s13], $0x80, $0x38;
	[tilespmem:$0x8100] =	vst v63  }
.LBB2_11:
0x52: {  	s2 =	simm.s32 $0x3  }
0x53: {  	_ =	swait.ge [sflag:s2], $0x4000  }
0x54: {  	[sflag:s2] =	ssyncset.done $0x0  }
0x55: {  	[sflag:s2] =	ssyncadd.s32 $0xFFFFC000  }
0x56: {  	_ =	sfence.sel $0x180000  }
0x57: {  	s3 =	simm.s32 $0x2;
	[bflag:$0x0] =	sbarrier.arrive $0xFFFF  }
0x58: {  	[sflag:s3] =	ssyncpa.u1 $0x1  }
0x59: {  	s31 =	simm.s32 $0x1;
	[sflag:s2] =	ssyncpa.u1 $0x1  }
0x5a: {  	[sflag:s31] =	ssyncpa.u1 $0x1  }
0x5b: {  	p0 =	sne.s32 s1, $0x0;
	_ =	strace $0x9000004D  }
0x5c: {  	s0 =	sadd.s32 @!p0 $0x100000, s0;
	[bflag:$0x2] =	sbarrier.arrive $0xFFFF  }
0x5d: {  	[sflag:s0] =	ssyncadd.tile.s32 @!p0 $0x1;
	_ =	shalt  }
.Lfunc_end2:
_tile_overlayer_lowered:
.L_overlay_start_2:
0x5e: {  	(tag) =	ssettag $0x2  }
0x5f: {  	s0 =	rddreg [dreg:$0x0];
	s2 =	stileid.u32  }
0x60: {  	s1 =	rddreg [dreg:$0x1];
	p0 =	sne.s32 s2, $0x0  }
0x61: {  	s3 =	rddreg [dreg:$0x2];
	[bflag:$0x3] =	sbarrier.arrive $0xFFFF;
	s2 =	simm.s32 @!p0 $0x1C01  }
0x62: {  	[timem:s3], [sflag:s2] =	dma.local @!p0 [hbm:s0], s1  }
0x63: {  	s0 =	simm.s32 @!p0 $0x1  }
0x64: {  	_ =	swait.ge @!p0 [sflag:s0], s1  }
0x65: {  	s1 =	ssub.s32 @!p0 $0x0, s1;
	[sflag:s0] =	ssyncset.done @!p0 $0x0  }
0x66: {  	[sflag:s0] =	ssyncadd.s32 @!p0 s1  }
0x67: {  	[bflag:$0x3] =	sbarrier.arrive $0xFFFF  }
0x68: {  	_ =	shalt  }

// kernel: gather_offload_async_start
scs
__scs_entry_jumppad:
0x0: {  	(pc) =	sbr.rel $0x88, $3  }
0x1: {  	(tag) =	ssettag $0x0;
	lr =	simm.s32 $0x1  }
0x2: {  	[smem:$0x3F6A] =	sst lr;
	_ =	strace $0xD0000000  }
0x3: {  	_ = 	snop  }
0x4: {  	_ = 	snop  }
0x5: {  	_ = 	snop  }
0x6: {  	_ = 	snop  }
0x7: {  	_ = 	snop  }
__scs_overlays_trampoline_lowered:
0x8: {  	[smem:$0x3F79] =	sst s0  }
0x9: {  	[smem:$0x3F7A] =	sst s1  }
0xa: {  	[smem:$0x3F7B] =	sst s2  }
0xb: {  	[smem:$0x3F7C] =	sst s3  }
0xc: {  	[smem:$0x3F7D] =	sst s4  }
0xd: {  	[smem:$0x3F7E] =	sst s5  }
0xe: {  	[smem:$0x3F7F] =	sst s6  }
0xf: {  	[smem:$0x3F80] =	sst s7  }
0x10: {  	[smem:$0x3F81] =	sst s8  }
0x11: {  	[smem:$0x3F82] =	sst s9;
	s0 =	simm.s32 @!p0 $0x0  }
0x12: {  	s1 =	sld [smem:$0x3F68];
	s0 =	simm.s32 @p0 $0x1  }
0x13: {  	[smem:$0x3F83] =	sst s0;
	s0 =	simm.s32 @!p1 $0x0  }
0x14: {  	s2 =	sld [smem:$0x3F67];
	s0 =	simm.s32 @p1 $0x1  }
0x15: {  	[smem:$0x3F84] =	sst s0;
	s0 =	simm.s32 @!p2 $0x0  }
0x16: {  	s3 =	sld [smem:$0x3FDB];
	s0 =	simm.s32 @p2 $0x1  }
0x17: {  	s4 =	simm.s32 $0x1BF5;
	[smem:$0x3F86] =	sst s0  }
0x18: {  	s0 =	sld [smem:$0x3F69];
	_ =	swait.ge [sflag:s4], $0x0  }
0x19: {  	s7 =	sld [smem:$0x3F6A]  }
0x1a: {  	s8 =	sadd.s32 $0xFFFFE003, lr  }
0x1b: {  	s9 =	sadd.s32 $0xFFFFFEF7, lr;
	s5 =	simm.s32 $0xFFFFFFFF;
	p2 =	slt.u32 s8, $0xFFFFF086  }
0x1c: {  	p1 =	slt.u32 s9, $0xF7A;
	s5 =	simm.s32 @!p2 $0x0  }
0x1d: {  	s5 =	simm.s32 @p1 $0x1;
	p0 =	seq.s32 s7, s2  }
0x1e: {  	s7 =	smul.u32 @!p0 $0xF7A, s2;
	p2 =	seq.s32 @!p0 s5, $0x0  }
0x1f: {  	s9 =	smul.u32 $0xF7A, s1;
	s8 =	simm.s32 @!p0 $0x1BF5;
	p2 =	por !p2, p0  }
0x20: {  	[sflag:s8] =	ssyncset.s32 @!p0 $0xFFFFF086;
	s6 =	sadd.s32 @!p0 s3, s7;
	s7 =	simm.s32 @!p0 $0x108  }
0x21: {  	s3 =	sadd.s32 s3, s9;
	s6 =	sadd.s32 @!p0 $0x88, s6;
	s7 =	simm.s32 @p2 $0x1082  }
0x22: {  	[simem:s7], [sflag:s8] =	dma.local @!p0 [hbm:s6], $0xF7A  }
0x23: {  	s9 =	sor.u32 $0xD0000000, s2;
	s6 =	simm.s32 $0x108;
	_ =	swait.ge @!p0 [sflag:s8], $0x0  }
0x24: {  	s3 =	sadd.s32 $0x88, s3;
	s6 =	simm.s32 @!p1 $0x1082;
	[sflag:s4] =	ssyncset.s32 $0xFFFFF086  }
0x25: {  	[simem:s6], [sflag:s4] =	dma.local [hbm:s3], $0xF7A  }
0x26: {  	[smem:$0x3F6A] =	sst s1;
	(tag) =	ssettag s2;
	_ =	strace s9  }
0x27: {  	s1 =	sld [smem:$0x3F7A]  }
0x28: {  	s2 =	sld [smem:$0x3F7B]  }
0x29: {  	s4 =	sld [smem:$0x3F7D]  }
0x2a: {  	p0 =	seq.s32 s5, $0x0;
	s5 =	sld [smem:$0x3F7E]  }
0x2b: {  	s6 =	sld [smem:$0x3F7F]  }
0x2c: {  	s7 =	sld [smem:$0x3F80]  }
0x2d: {  	s3 =	simm.s32 $0x108;
	s8 =	sld [smem:$0x3F81]  }
0x2e: {  	s3 =	simm.s32 @!p0 $0x1082;
	s9 =	sld [smem:$0x3F82]  }
0x2f: {  	lr =	sadd.s32 s0, s3;
	s0 =	sld [smem:$0x3F79]  }
0x30: {  	s3 =	sld [smem:$0x3F7C]  }
0x31: {  	[smem:$0x3F85] =	sst s10  }
0x32: {  	s10 =	sld [smem:$0x3F83];
	_ =	sdelay $0x3  }
0x33: {  	p0 =	seq.s32 s10, $0x1;
	s10 =	sld [smem:$0x3F85];
	_ =	sdelay $0x3  }
0x34: {  	[smem:$0x3F85] =	sst s10  }
0x35: {  	s10 =	sld [smem:$0x3F84];
	_ =	sdelay $0x3  }
0x36: {  	p1 =	seq.s32 s10, $0x1;
	s10 =	sld [smem:$0x3F85];
	_ =	sdelay $0x3  }
0x37: {  	[smem:$0x3F85] =	sst s10  }
0x38: {  	s10 =	sld [smem:$0x3F86]  }
0x39: {  	_ = 	snop;
	(pc) =	sbr.ind lr, $3  }
0x3a: {  	_ = 	snop  }
0x3b: {  	_ = 	snop  }
0x3c: {  	p2 =	seq.s32 s10, $0x1;
	s10 =	sld [smem:$0x3F85]  }
0x3d: {  	_ =	shalt  }
0x3e: {  	_ =	shalt  }
0x3f: {  	_ =	shalt  }
0x40: {  	_ =	shalt  }
0x41: {  	_ =	shalt  }
0x42: {  	_ =	shalt  }
0x43: {  	_ =	shalt  }
0x44: {  	_ =	shalt  }
0x45: {  	_ =	shalt  }
0x46: {  	_ =	shalt  }
0x47: {  	_ =	shalt  }
0x48: {  	_ =	shalt  }
0x49: {  	_ =	shalt  }
0x4a: {  	_ =	shalt  }
0x4b: {  	_ =	shalt  }
0x4c: {  	_ =	shalt  }
0x4d: {  	_ =	shalt  }
0x4e: {  	_ =	shalt  }
0x4f: {  	_ =	shalt  }
0x50: {  	_ =	shalt  }
0x51: {  	_ =	shalt  }
0x52: {  	_ =	shalt  }
0x53: {  	_ =	shalt  }
0x54: {  	_ =	shalt  }
0x55: {  	_ =	shalt  }
0x56: {  	_ =	shalt  }
0x57: {  	_ =	shalt  }
0x58: {  	_ =	shalt  }
0x59: {  	_ =	shalt  }
0x5a: {  	_ =	shalt  }
0x5b: {  	_ =	shalt  }
0x5c: {  	_ =	shalt  }
0x5d: {  	_ =	shalt  }
0x5e: {  	_ =	shalt  }
0x5f: {  	_ =	shalt  }
0x60: {  	_ =	shalt  }
0x61: {  	_ =	shalt  }
0x62: {  	_ =	shalt  }
0x63: {  	_ =	shalt  }
0x64: {  	_ =	shalt  }
0x65: {  	_ =	shalt  }
0x66: {  	_ =	shalt  }
0x67: {  	_ =	shalt  }
0x68: {  	_ =	shalt  }
0x69: {  	_ =	shalt  }
0x6a: {  	_ =	shalt  }
0x6b: {  	_ =	shalt  }
0x6c: {  	_ =	shalt  }
0x6d: {  	_ =	shalt  }
0x6e: {  	_ =	shalt  }
0x6f: {  	_ =	shalt  }
0x70: {  	_ =	shalt  }
0x71: {  	_ =	shalt  }
0x72: {  	_ =	shalt  }
0x73: {  	_ =	shalt  }
0x74: {  	_ =	shalt  }
0x75: {  	_ =	shalt  }
0x76: {  	_ =	shalt  }
0x77: {  	_ =	shalt  }
0x78: {  	_ =	shalt  }
0x79: {  	_ =	shalt  }
0x7a: {  	_ =	shalt  }
0x7b: {  	_ =	shalt  }
0x7c: {  	_ =	shalt  }
0x7d: {  	_ =	shalt  }
0x7e: {  	_ =	shalt  }
0x7f: {  	_ =	shalt  }
0x80: {  	_ =	shalt  }
0x81: {  	_ =	shalt  }
0x82: {  	_ =	shalt  }
0x83: {  	_ =	shalt  }
0x84: {  	_ =	shalt  }
0x85: {  	_ =	shalt  }
0x86: {  	_ =	shalt  }
0x87: {  	_ =	shalt  }
.Lfunc_end0:
.L_simem_size_0:
called_computation.2_lowered:
.L_overlay_start_0:
0x88: {  	s2 =	sld [smem:$0x3FD9]  }
0x89: {  	s3 =	sld [smem:$0x3FFE];
	_ =	sdelay $0x1  }
0x8a: {  	s1 =	srdreg.scid  }
0x8b: {  	s0 =	sand.u32 $0x1, s1  }
0x8c: {  	s16 =	sshll.u32 s0, $0xA;
	s2 =	sadd.s32 s3, s2  }
0x8d: {  	s2 =	sadd.s32 s2, s16  }
0x8e: {  	[smem:$0x3F91] =	sst s2  }
0x8f: {  	_ = 	snop  }
0x90: {  	(tm) =	ssettm $0x1  }
0x91: {  	s17 =	sld [smem:$0x3FFB];
	_ =	sdelay $0x3  }
0x92: {  	_ =	strace s17  }
0x93: {  	s2 =	sld [smem:$0x3FFC];
	_ =	sdelay $0x3  }
0x94: {  	_ =	strace s2  }
0x95: {  	s2 =	sld [smem:$0x3FFD];
	_ =	sdelay $0x3  }
0x96: {  	_ =	strace s2  }
0x97: {  	_ =	strace $0x8FFFFFFF  }
0x98: {  	s18 =	sld [smem:$0x3FDB];
	_ =	sdelay $0x1  }
0x99: {  	s19 =	simm.s32 $_scs_section_size  }
0x9a: {  	s4 =	simm.s32 $_size__tile_overlayer_lowered;
	s5 =	simm.s32 $_tile_overlayer_lowered  }
0x9b: {  	s22 =	simm.s32 $0x1BFF;
	s21 =	sshll.u32 s5, $0x1;
	s2 =	sadd.s32 s19, s18  }
0x9c: {  	s6 =	simm.s32 $0x0;
	s20 =	sshll.u32 s4, $0x1;
	s4 =	sadd.s32 s21, s2  }
0x9d: {  	[timem:s6], [sflag:s22] =	dma.local [hbm:s4], s20  }
0x9e: {  	_ =	swait.ge [sflag:s22], s20  }
0x9f: {  	s3 =	ssub.s32 $0x0, s20;
	[sflag:s22] =	ssyncset.done $0x0  }
0xa0: {  	[sflag:s22] =	ssyncadd.s32 s3;
	_ =	sdelay $0x1  }
0xa1: {  	s23 =	simm.s32 $0x1B8B  }
0xa2: {  	_ =	swait.ge [sflag:s23], $0x1  }
0xa3: {  	[sflag:s23] =	ssyncset.done $0x0  }
0xa4: {  	s25 =	simm.s32 $0x1B8E;
	s24 =	sld [smem:$0x3FFE];
	[sflag:s23] =	ssyncadd.s32 $0xFFFFFFFF  }
0xa5: {  	s26 =	simm.s32 $execute0_lowered;
	[smem:$0x3FD2] =	sst s25  }
0xa6: {  	s4 =	sshll.u32 s26, $0x1;
	_ =	strace $0x80000046;
	[dreg:$0x1] =	wrdreg $0xFFFFFFFF  }
0xa7: {  	s28 =	simm.s32 $_size_execute0_lowered;
	s2 =	sadd.s32 s2, s4;
	[dreg:$0x0] =	wrdreg $0x0  }
0xa8: {  	s4 =	sshll.u32 s28, $0x1;
	[dreg:$0x2] =	wrdreg s2  }
0xa9: {  	[dreg:$0x3] =	wrdreg s4  }
0xaa: {  	[dreg:$0x4] =	wrdreg $0xC0  }
0xab: {  	_ =	task [dreg:s6], $0x5FFFF  }
0xac: {  	[dreg:$0x1] =	wrdreg $0xFFFFFFFF  }
0xad: {  	[dreg:$0x0] =	wrdreg $0x60  }
0xae: {  	[dreg:$0x2] =	wrdreg s24  }
0xaf: {  	[dreg:$0x3] =	wrdreg $0x9  }
0xb0: {  	_ =	task.clear_ibuf [dreg:s6], $0x4FFFF;
	_ =	strace $0x90000046  }
0xb1: {  	s29 =	simm.s32 $0x9;
	_ =	strace $0x80000048  }
0xb2: {  	_ =	swait.ge [sflag:s29], $0x1  }
0xb3: {  	[sflag:s29] =	ssyncadd.s32 $0xFFFFFFFF  }
0xb4: {  	_ =	strace $0x90000048  }
0xb5: {  	_ =	sfence  }
0xb6: {  	s30 =	sld [smem:$0x0];
	_ =	sdelay $0x2  }
0xb7: {  	s31 =	sshll.u32 s1, $0xD;
	s1 =	sshrl.u32 s1, $0x2  }
0xb8: {  	s3 =	sand.u32 $0x4000, s31;
	s1 =	sadd.s32 s1, s30  }
0xb9: {  	s0 =	sor.u32 s3, s0;
	s1 =	sshll.u32 s1, $0x11  }
0xba: {  	s0 =	sor.u32 s1, s0  }
0xbb: {  	s0 =	sadd.s32 $0x8F2B, s0  }
0xbc: {  	[sflag:s0] =	ssyncadd.remote.s32 $0x1  }
0xbd: {  	_ =	sfence.sel $0xFFFF  }
0xbe: {  	[dreg:$0x0] =	wrdreg $0xFFFFFFFF;
	(pc) =	sbr.abs _section_cstart, $3  }
0xbf: {  	[dreg:$0x1] =	wrdreg $0xFFFFFFFF  }
0xc0: {  	_ =	task.clear_ibuf [dreg:s6], $0x2FFFF;
	_ =	strace $0x9FFFFFFF  }
0xc1: {  	(tm) =	ssettm $0x7FFFFFFF  }
tec
execute0_lowered:
.L_overlay_start_1:
0x0: {  	(tag) =	ssettag $0x1  }
0x1: {  	s2 =	rddreg [dreg:$0x0]  }
0x2: {  	s0 =	rddreg [dreg:$0x1]  }
0x3: {  	s1 =	srdreg.scid;
	_ =	strace $0x80000047;
	s4 =	simm.s32 $0x1  }
0x4: {  	s9 =	simm.s32 $0x3;
	s11 =	simm.s32 $0x0;
	s5 =	sshll.u32 s1, $0x4  }
.Ltmp0:
0x5: {  	s1 =	stileid.u32;
	s5 =	sand.u32 $0x10, s5;
	(pc) =	sbr.rel .LBB2_1-.Ltmp0, $4  }
0x6: {  	p0 =	por $0x0, $0x0;
	s3 =	sadd.s32 $0x100000, s2;
	s6 =	sor.u32 s1, s5  }
0x7: {  	[sflag:s4] =	ssyncpa.u1 $0x0;
	s5 =	simm.s32 $0x2;
	s6 =	sshll.u32 s6, $0x9  }
0x8: {  	s7 =	sadd.s32 $0x101600, s2;
	[sflag:s5] =	ssyncpa.u1 $0x0;
	s8 =	sadd.s32 $0x200, s6  }
0x9: {  	vm0 =	vmmov $0xff;
	vm1 =	vcmask $0x3F20;
	[sflag:s9] =	ssyncpa.u1 $0x0;
	s10 =	smov.u32 s6;
	s9 =	simm.s32 $0x0  }
.LBB2_7:
0xa: {  	p1 =	slt.u32 s9, $0x2;
	s11 =	sadd.s32 $0x100, s10  }
0xb: {  	s13 =	smov.u32 s6;
	s9 =	sadd.s32 $0x1, s9;
	p2 =	slt.s32 s11, s8  }
0xc: {  	s13 =	smov.u32 @p2 s11;
	p2 =	sne.s32 s9, $0x4  }
.Ltmp1:
0xd: {  	_ = 	snop;
	(pc) =	sbr.rel @!p2 .LBB2_8-.Ltmp1, $4  }
0xe: {  	s12 =	simm.s32 @!p1 $0x3  }
0xf: {  	_ =	swait.ge @!p1 [sflag:s12], $0x8000  }
0x10: {  	p0 =	por !p0, !p0;
	[sflag:s12] =	ssyncset.done @!p1 $0x0  }
0x11: {  	s11 =	smov.u32 s10;
	s10 =	smov.u32 s13;
	[sflag:s12] =	ssyncadd.s32 @!p1 $0xFFFF8000  }
.LBB2_1:
0x12: {  	p1 =	sgt.u32 s9, $0x1  }
0x13: {  	s12 =	sshll.u32 @!p1 s9, $0x8;
	s13 =	sshrl.u32 @!p1 s10, $0x3  }
0x14: {  	s14 =	sand.u32 @!p1 $0x7, s10;
	s12 =	sxor.u32 @!p1 $0x100, s12;
	s13 =	sadd.s32 @!p1 s3, s13  }
0x15: {  	[tilespmem:s12], [sflag:$0x2] =	stream.linear.gather @!p1 [hbm4b:s13+s14], $0x100, $0x38;
	[tilespmem:$0x10200] =	vst v63  }
0x16: {  	p1 =	seq.s32 s9, $0x0  }
0x17: {  	p2 =	seq.s32 @!p1 s9, $0x3  }
0x18: {  	p1 =	por p1, p2  }
.Ltmp2:
0x19: {  	_ = 	snop;
	(pc) =	sbr.rel @p1 .LBB2_7-.Ltmp2, $1  }
0x1a: {  	_ =	sdelay $0x3  }
0x1b: {  	s12 =	simm.s32 $0x1  }
0x1c: {  	_ =	swait.ge [sflag:s5], $0x100;
	s12 =	simm.s32 @!p0 $0x0  }
0x1d: {  	[sflag:s5] =	ssyncset.done $0x0;
	s14 =	sshll.u32 s12, $0x8  }
0x1e: {  	[sflag:s5] =	ssyncadd.s32 $0xFFFFFF00;
	s13 =	sadd.s32 $0x0, s14  }
0x1f: {  	v0 =	vld.msk [tilespmem:s13+$0x0 ss:$0x1], $0xffff;
	_ =	sdelay $0x4  }
0x20: {  	v1 =	vshll.u32 v0, $0x2  }
0x21: {  	vm2 =	veq.s32 v0, $0x80000000;
	v0 =	vshll.u32 v0, $0x12;
	v1 =	vand.u32 $0x3FF80, v1  }
0x22: {  	v0 =	vand.u32 $0x7C0000, v0;
	v1 =	vsel vm2, $0xFFFFFF80, v1  }
0x23: {  	v0 =	vsel vm2, $0xFFFC0000, v0;
	v2 =	vand.u32 $0xFFFFFC00, v1  }
0x24: {  	v1 =	vand.u32 $0x380, v1;
	v0 =	vadd.s32 v0, v2  }
0x25: {  	v0 =	vor.u32 v1, v0  }
0x26: {  	v0 =	vshrl.u32 v0, $0x3;
	_ =	sdelay $0x2  }
0x27: {  	s12 =	sshll.u32 s12, $0xF  }
0x28: {  	s12 =	sor.u32 $0x200, s12  }
0x29: {  	[tilespmem:s12], [sflag:$0x1] =	stream.indirect_vreg.gather [hbm:s2], $0x80, v0, vm0, $0x38;
	[tilespmem:$0x10200] =	vst v63  }
0x2a: {  	s15 =	sadd.s32 $0x10, s14;
	s13 =	sadd.s32 $0x400, s12  }
0x2b: {  	[tilespmem:s13], [sflag:$0x1] =	stream.indirect_vreg.gather [hbm:s2], $0x80, v0, vm1, $0x38;
	[tilespmem:$0x10200] =	vst v63  }
0x2c: {  	s16 =	simm.s32 $0x80;
	v0 =	vld.msk [tilespmem:s15+$0x0 ss:$0x1], $0xffff;
	s15 =	smov.u32 s12  }
.LBB2_3:
0x2d: {  	p1 =	sne.s32 s16, $0x3C0;
	_ =	sdelay $0x4  }
0x2e: {  	v1 =	vshll.u32 v0, $0x2  }
0x2f: {  	vm2 =	veq.s32 v0, $0x80000000;
	v0 =	vshll.u32 v0, $0x12;
	v1 =	vand.u32 $0x3FF80, v1  }
0x30: {  	v0 =	vand.u32 $0x7C0000, v0;
	v1 =	vsel vm2, $0xFFFFFF80, v1  }
0x31: {  	v0 =	vsel vm2, $0xFFFC0000, v0;
	v2 =	vand.u32 $0xFFFFFC00, v1  }
0x32: {  	v1 =	vand.u32 $0x380, v1;
	v0 =	vadd.s32 v0, v2  }
0x33: {  	v0 =	vor.u32 v1, v0  }
0x34: {  	v0 =	vshrl.u32 v0, $0x3;
	_ =	sdelay $0x3  }
.Ltmp3:
0x35: {  	s17 =	sshra.s32 s16, $0x2;
	s15 =	sadd.s32 $0x800, s15;
	(pc) =	sbr.rel @p1 .LBB2_3-.Ltmp3, $4  }
0x36: {  	[tilespmem:s15], [sflag:$0x1] =	stream.indirect_vreg.gather [hbm:s2], $0x80, v0, vm0, $0x38;
	[tilespmem:$0x10200] =	vst v63  }
0x37: {  	s17 =	sadd.s32 s17, s14;
	s18 =	sadd.s32 $0x400, s15  }
0x38: {  	[tilespmem:s18], [sflag:$0x1] =	stream.indirect_vreg.gather [hbm:s2], $0x80, v0, vm1, $0x38;
	[tilespmem:$0x10200] =	vst v63  }
0x39: {  	s16 =	sadd.s32 $0x40, s16;
	v0 =	vld.msk [tilespmem:s17+$0x0 ss:$0x1], $0xffff  }
0x3a: {  	_ =	sdelay $0x3  }
0x3b: {  	v1 =	vshll.u32 v0, $0x2  }
0x3c: {  	vm2 =	veq.s32 v0, $0x80000000;
	v63 =	vshll.u32 v0, $0x12;
	v1 =	vand.u32 $0x3FF80, v1  }
0x3d: {  	v0 =	vand.u32 $0x7C0000, v63;
	v1 =	vsel vm2, $0xFFFFFF80, v1  }
0x3e: {  	v0 =	vsel vm2, $0xFFFC0000, v0;
	v2 =	vand.u32 $0xFFFFFC00, v1  }
0x3f: {  	v1 =	vand.u32 $0x380, v1;
	v0 =	vadd.s32 v0, v2  }
0x40: {  	v0 =	vor.u32 v1, v0  }
0x41: {  	v0 =	vshrl.u32 v0, $0x3;
	_ =	sdelay $0x3  }
0x42: {  	s14 =	sadd.s32 $0x800, s15  }
0x43: {  	[tilespmem:s14], [sflag:$0x1] =	stream.indirect_vreg.gather [hbm:s2], $0x80, v0, vm0, $0x38;
	[tilespmem:$0x10200] =	vst v63  }
0x44: {  	s14 =	sadd.s32 $0x400, s14  }
0x45: {  	[tilespmem:s14], [sflag:$0x1] =	stream.indirect_vreg.gather [hbm:s2], $0x80, v0, vm1, $0x38;
	[tilespmem:$0x10200] =	vst v63  }
0x46: {  	s11 =	sshll.u32 s11, $0x4;
	_ =	swait.ge [sflag:s4], $0x8000  }
0x47: {  	s11 =	sadd.s32 s11, s7;
	[sflag:s4] =	ssyncset.done $0x0  }
0x48: {  	s15 =	sadd.s32 $0x0, s11;
	s14 =	simm.s32 $0x80;
	[sflag:s4] =	ssyncadd.s32 $0xFFFF8000  }
.LBB2_5:
0x49: {  	[hbm:s15] =	stream.linear.scatter [tilespmem:s12], [sflag:$0x3], $0x400, $0x38;
	[tilespmem:$0x10200] =	vst v63  }
0x4a: {  	s15 =	smov.u32 s14;
	s12 =	smov.u32 s13;
	p1 =	sne.s32 s14, $0xF80  }
.Ltmp4:
0x4b: {  	s14 =	sadd.s32 $0x80, s14;
	(pc) =	sbr.rel @p1 .LBB2_5-.Ltmp4, $2  }
0x4c: {  	_ =	sdelay $0x2  }
0x4d: {  	s13 =	sadd.s32 $0x400, s13;
	s15 =	sadd.s32 s15, s11  }
.Ltmp5:
0x4e: {  	(pc) =	sbr.rel .LBB2_7-.Ltmp5, $2  }
0x4f: {  	_ =	sdelay $0x2  }
0x50: {  	[hbm:s15] =	stream.linear.scatter [tilespmem:s12], [sflag:$0x3], $0x400, $0x38;
	[tilespmem:$0x10200] =	vst v63  }
.LBB2_8:
0x51: {  	_ =	sfence.sel $0x180000  }
0x52: {  	s2 =	simm.s32 $0x2;
	[bflag:$0x0] =	sbarrier.arrive $0xFFFF  }
0x53: {  	s30 =	simm.s32 $0x3;
	[sflag:s2] =	ssyncpa.u1 $0x1  }
0x54: {  	s31 =	simm.s32 $0x1;
	[sflag:s30] =	ssyncpa.u1 $0x1  }
0x55: {  	[sflag:s31] =	ssyncpa.u1 $0x1  }
0x56: {  	p0 =	sne.s32 s1, $0x0;
	_ =	strace $0x90000047  }
0x57: {  	s0 =	sadd.s32 @!p0 $0x100000, s0;
	[bflag:$0x2] =	sbarrier.arrive $0xFFFF  }
0x58: {  	[sflag:s0] =	ssyncadd.tile.s32 @!p0 $0x1;
	_ =	shalt  }
.Lfunc_end2:
_tile_overlayer_lowered:
.L_overlay_start_2:
0x59: {  	(tag) =	ssettag $0x2  }
0x5a: {  	s0 =	rddreg [dreg:$0x0];
	s2 =	stileid.u32  }
0x5b: {  	s1 =	rddreg [dreg:$0x1];
	p0 =	sne.s32 s2, $0x0  }
0x5c: {  	s3 =	rddreg [dreg:$0x2];
	[bflag:$0x3] =	sbarrier.arrive $0xFFFF;
	s2 =	simm.s32 @!p0 $0x1C01  }
0x5d: {  	[timem:s3], [sflag:s2] =	dma.local @!p0 [hbm:s0], s1  }
0x5e: {  	s0 =	simm.s32 @!p0 $0x1  }
0x5f: {  	_ =	swait.ge @!p0 [sflag:s0], s1  }
0x60: {  	s1 =	ssub.s32 @!p0 $0x0, s1;
	[sflag:s0] =	ssyncset.done @!p0 $0x0  }
0x61: {  	[sflag:s0] =	ssyncadd.s32 @!p0 s1  }
0x62: {  	[bflag:$0x3] =	sbarrier.arrive $0xFFFF  }
0x63: {  	_ =	shalt  }

// kernel: sparse-core-data-format-call.1.cloned.1.call-start
scs
called_computation.1_lowered:
.L_overlay_start_0:
0x0: {  	s2 =	sld [smem:$0x3FD9]  }
0x1: {  	s3 =	sld [smem:$0x3FFE];
	_ =	sdelay $0x1  }
0x2: {  	s1 =	srdreg.scid  }
0x3: {  	s0 =	sand.u32 $0x1, s1  }
0x4: {  	s18 =	sshll.u32 s0, $0xA;
	s2 =	sadd.s32 s3, s2  }
0x5: {  	s2 =	sadd.s32 s2, s18  }
0x6: {  	[smem:$0x3F91] =	sst s2  }
0x7: {  	_ = 	snop  }
0x8: {  	(tm) =	ssettm $0x1  }
0x9: {  	s19 =	sld [smem:$0x3FFB];
	_ =	sdelay $0x3  }
0xa: {  	_ =	strace s19  }
0xb: {  	s2 =	sld [smem:$0x3FFC];
	_ =	sdelay $0x3  }
0xc: {  	_ =	strace s2  }
0xd: {  	s2 =	sld [smem:$0x3FFD];
	_ =	sdelay $0x3  }
0xe: {  	_ =	strace s2  }
0xf: {  	_ =	strace $0x8FFFFFFF  }
0x10: {  	s20 =	sld [smem:$0x3FDB];
	_ =	sdelay $0x1  }
0x11: {  	s21 =	simm.s32 $_scs_section_size  }
0x12: {  	s4 =	simm.s32 $_size__tile_overlayer_lowered;
	s5 =	simm.s32 $_tile_overlayer_lowered  }
0x13: {  	s6 =	simm.s32 $0x1BFF;
	s22 =	sshll.u32 s5, $0x1;
	s3 =	sadd.s32 s21, s20  }
0x14: {  	s23 =	simm.s32 $0x0;
	s4 =	sshll.u32 s4, $0x1;
	s5 =	sadd.s32 s22, s3  }
0x15: {  	[timem:s23], [sflag:s6] =	dma.local [hbm:s5], s4  }
0x16: {  	_ =	swait.ge [sflag:s6], s4  }
0x17: {  	s4 =	ssub.s32 $0x0, s4;
	[sflag:s6] =	ssyncset.done $0x0  }
0x18: {  	[sflag:s6] =	ssyncadd.s32 s4;
	_ =	sdelay $0x1  }
0x19: {  	s24 =	simm.s32 $0x1B8B  }
0x1a: {  	_ =	swait.ge [sflag:s24], $0x1  }
0x1b: {  	[sflag:s24] =	ssyncset.done $0x0  }
0x1c: {  	[sflag:s24] =	ssyncadd.s32 $0xFFFFFFFF  }
0x1d: {  	s4 =	sld [smem:$0x0]  }
0x1e: {  	s5 =	sand.u32 $0xFFFFFFFE, s1  }
0x1f: {  	p0 =	sne.s32 s1, s5  }
0x20: {  	s5 =	sshll.u32 @p0 s5, $0xE  }
0x21: {  	s5 =	sadd.s32 @p0 $0x11B8D, s5;
	s6 =	sshll.u32 @p0 s4, $0x11  }
0x22: {  	s5 =	sor.u32 @p0 s6, s5  }
0x23: {  	[sflag:s5] =	ssyncadd.remote.s32 @p0 $0x1;
	_ =	sdelay $0x1  }
0x24: {  	s5 =	simm.s32 @p0 $0x1B8D  }
0x25: {  	_ =	swait.eq @p0 [sflag:s5], $0x1  }
0x26: {  	[sflag:s5] =	ssyncadd.s32 @p0 $0xFFFFFFFF  }
0x27: {  	s6 =	sshll.u32 @!p0 s1, $0xE  }
0x28: {  	s6 =	sor.u32 @!p0 $0x4000, s6;
	s5 =	simm.s32 @!p0 $0x1B8D  }
0x29: {  	s4 =	sshll.u32 @!p0 s4, $0x11;
	s6 =	sadd.s32 @!p0 $0x11B8D, s6;
	_ =	swait.eq @!p0 [sflag:s5], $0x1  }
0x2a: {  	s4 =	sor.u32 @!p0 s4, s6;
	[sflag:s5] =	ssyncadd.s32 @!p0 $0xFFFFFFFF  }
0x2b: {  	s26 =	simm.s32 $0x1B8E;
	s25 =	sld [smem:$0x3FFE];
	[sflag:s4] =	ssyncadd.remote.s32 @!p0 $0x1  }
0x2c: {  	s27 =	simm.s32 $execute0_lowered;
	[smem:$0x3FD2] =	sst s26  }
0x2d: {  	s5 =	sshll.u32 s27, $0x1;
	_ =	strace $0x8000004F;
	[dreg:$0x1] =	wrdreg $0xFFFFFFFF  }
0x2e: {  	s28 =	simm.s32 $_size_execute0_lowered;
	s3 =	sadd.s32 s3, s5;
	[dreg:$0x0] =	wrdreg $0x0  }
0x2f: {  	s5 =	sshll.u32 s28, $0x1;
	[dreg:$0x2] =	wrdreg s3  }
0x30: {  	[dreg:$0x3] =	wrdreg s5  }
0x31: {  	[dreg:$0x4] =	wrdreg $0xC0  }
0x32: {  	_ =	task [dreg:s23], $0x5FFFF  }
0x33: {  	[dreg:$0x1] =	wrdreg $0xFFFFFFFF  }
0x34: {  	[dreg:$0x0] =	wrdreg $0x60  }
0x35: {  	[dreg:$0x2] =	wrdreg s25  }
0x36: {  	[dreg:$0x3] =	wrdreg $0x9  }
0x37: {  	_ =	task.clear_ibuf [dreg:s23], $0x4FFFF;
	_ =	strace $0x9000004F  }
0x38: {  	s29 =	simm.s32 $0x9;
	_ =	strace $0x80000051  }
0x39: {  	_ =	swait.ge [sflag:s29], $0x1  }
0x3a: {  	[sflag:s29] =	ssyncadd.s32 $0xFFFFFFFF  }
0x3b: {  	_ =	strace $0x90000051  }
0x3c: {  	_ =	sfence  }
0x3d: {  	s30 =	sld [smem:$0x0];
	_ =	sdelay $0x2  }
0x3e: {  	s31 =	sshll.u32 s1, $0xD;
	s1 =	sshrl.u32 s1, $0x2  }
0x3f: {  	s4 =	sand.u32 $0x4000, s31;
	s1 =	sadd.s32 s1, s30  }
0x40: {  	s0 =	sor.u32 s4, s0;
	s1 =	sshll.u32 s1, $0x11  }
0x41: {  	s0 =	sor.u32 s1, s0  }
0x42: {  	s0 =	sadd.s32 $0x8F2B, s0  }
0x43: {  	[sflag:s0] =	ssyncadd.remote.s32 $0x1  }
0x44: {  	_ =	sfence.sel $0xFFFF  }
0x45: {  	[dreg:$0x0] =	wrdreg $0xFFFFFFFF;
	(pc) =	sbr.abs _section_cstart, $3  }
0x46: {  	[dreg:$0x1] =	wrdreg $0xFFFFFFFF  }
0x47: {  	_ =	task.clear_ibuf [dreg:s23], $0x2FFFF;
	_ =	strace $0x9FFFFFFF  }
0x48: {  	(tm) =	ssettm $0x7FFFFFFF  }
0x49: {  	_ =	shalt  }
tec
execute0_lowered:
.L_overlay_start_1:
0x0: {  	(tag) =	ssettag $0x1  }
0x1: {  	s1 =	rddreg [dreg:$0x0]  }
0x2: {  	s0 =	rddreg [dreg:$0x1];
	_ =	strace $0x80000050  }
0x3: {  	s4 =	srdreg.scid;
	s6 =	simm.s32 $0x2;
	s13 =	simm.s32 $0x0  }
0x4: {  	p0 =	por $0x0, $0x0;
	s11 =	simm.s32 $0x0;
	s12 =	simm.s32 $0x0  }
.Ltmp0:
0x5: {  	s8 =	simm.s32 $0x0;
	s9 =	simm.s32 $0x0;
	(pc) =	sbr.rel .LBB1_1-.Ltmp0, $4  }
0x6: {  	s2 =	sadd.s32 $0x200A00, s1;
	s3 =	sadd.s32 $0x600A00, s1;
	s4 =	sshll.u32 s4, $0x4  }
0x7: {  	s1 =	stileid.u32;
	s5 =	sand.u32 $0x10, s4;
	s4 =	simm.s32 $0x1  }
0x8: {  	s7 =	simm.s32 $0x0;
	s5 =	sor.u32 s1, s5;
	[sflag:s4] =	ssyncpa.u1 $0x0  }
0x9: {  	[sflag:s6] =	ssyncpa.u1 $0x0;
	s6 =	simm.s32 $0x1000;
	s10 =	smov.u32 s5  }
.LBB1_5:
0xa: {  	s14 =	sadd.s32 $0x80, s8  }
0xb: {  	s11 =	sadd.s32 $0x80, s9;
	s15 =	smov.u32 s9;
	p2 =	sgt.s32 s14, $0x7FF  }
0xc: {  	s15 =	smov.u32 @p2 s11  }
0xd: {  	s17 =	smov.u32 s10;
	s11 =	sadd.s32 $0x20, s10;
	p3 =	sgt.s32 s15, $0x1FF  }
0xe: {  	p1 =	slt.u32 s7, $0x2;
	s17 =	smov.u32 @p3 s11  }
0xf: {  	s7 =	sadd.s32 $0x1, s7;
	s14 =	simm.s32 @p2 $0x0;
	p2 =	sgt.s32 s17, $0x1F  }
0x10: {  	s17 =	smov.u32 @p2 s5;
	p2 =	sne.s32 s7, $0x42  }
.Ltmp1:
0x11: {  	s16 =	simm.s32 @!p1 $0x2;
	(pc) =	sbr.rel @!p2 .LBB1_6-.Ltmp1, $4  }
0x12: {  	s13 =	smov.u32 s8;
	_ =	swait.ge @!p1 [sflag:s16], $0x4000  }
0x13: {  	s12 =	smov.u32 s10;
	p0 =	por !p0, !p0;
	[sflag:s16] =	ssyncset.done @!p1 $0x0  }
0x14: {  	s8 =	smov.u32 s14;
	s15 =	simm.s32 @p3 $0x0;
	s11 =	smov.u32 s9  }
0x15: {  	[sflag:s16] =	ssyncadd.s32 @!p1 $0xFFFFC000;
	s9 =	smov.u32 s15;
	s10 =	smov.u32 s17  }
.LBB1_1:
0x16: {  	p1 =	sgt.u32 s7, $0x3F  }
0x17: {  	s14 =	sxor.u32 @!p1 $0xFFFFFFFF, s7;
	s15 =	sand.u32 @!p1 $0x78, s8;
	s16 =	sshll.u32 @!p1 s9, $0xB  }
0x18: {  	s17 =	sshll.u32 @!p1 s9, $0x7;
	s18 =	sshll.u32 @!p1 s8, $0x3;
	s14 =	sshll.u32 @!p1 s14, $0xE  }
0x19: {  	s16 =	sand.u32 @!p1 $0xFC000, s16;
	s17 =	sand.u32 @!p1 $0x380, s17;
	s14 =	sand.u32 @!p1 $0x4000, s14  }
0x1a: {  	s16 =	sadd.s32 @!p1 s16, s18;
	s18 =	sand.u32 @!p1 $0x400, s18;
	s15 =	sor.u32 @!p1 s17, s15  }
0x1b: {  	s17 =	sshll.u32 @!p1 s10, $0x11;
	s15 =	sor.u32 @!p1 s18, s15;
	s16 =	sshrl.u32 @!p1 s16, $0x3  }
0x1c: {  	s17 =	sadd.s32 @!p1 s2, s17;
	s18 =	sand.u32 @!p1 $0x7, s8;
	s16 =	sand.u32 @!p1 $0x1FF00, s16  }
0x1d: {  	s15 =	sshrl.u32 @!p1 s15, $0x3;
	s16 =	sadd.s32 @!p1 s16, s17;
	s17 =	sshll.u32 @!p1 s18, $0x12  }
0x1e: {  	s15 =	sadd.s32 @!p1 s15, s16;
	s16 =	sor.u32 @!p1 $0x400, s17;
	s17 =	simm.s32 @!p1 $0x4000  }
0x1f: {  	[tilespmem:s14], [sflag:$0x1] =	stream.strided.gather @!p1 [hbm4b:s15+s16], $0x4000, s17, s16, $0x38;
	[tilespmem:$0x10100] =	vst v63  }
0x20: {  	p1 =	seq.s32 s7, $0x0  }
0x21: {  	p2 =	seq.s32 @!p1 s7, $0x41  }
0x22: {  	p1 =	por p1, p2  }
.Ltmp2:
0x23: {  	_ = 	snop;
	(pc) =	sbr.rel @p1 .LBB1_5-.Ltmp2, $1  }
0x24: {  	_ =	sdelay $0x3  }
0x25: {  	s14 =	simm.s32 $0x1  }
0x26: {  	_ =	swait.ge [sflag:s4], $0x4000;
	s14 =	simm.s32 @!p0 $0x0  }
0x27: {  	[sflag:s4] =	ssyncset.done $0x0;
	s15 =	sshll.u32 s14, $0xE  }
0x28: {  	[sflag:s4] =	ssyncadd.s32 $0xFFFFC000;
	s16 =	sor.u32 $0x40, s15  }
0x29: {  	s14 =	smul.u32 $0x10200, s14;
	v0 =	vld [tilespmem:s16+$0x30]  }
0x2a: {  	v3 =	vld [tilespmem:s16+$0xFFFFFFD0]  }
0x2b: {  	s14 =	sshrl.u32 s14, $0x2;
	v4 =	vld [tilespmem:s16+$0xFFFFFFE0]  }
0x2c: {  	v5 =	vld [tilespmem:s16+$0xFFFFFFF0];
	s15 =	sor.u32 $0x8000, s14  }
0x2d: {  	s31 =	sand.u32 $0x1, s7;
	v1 =	vld [tilespmem:s16+$0x0];
	s17 =	sadd.s32 $0x0, s15  }
0x2e: {  	v2 =	vld [tilespmem:s16+$0x10];
	s14 =	smul.u32 $0x10200, s31;
	[tilespmem:s17+$0x3870 ss:$0x81] =	vst.msk $0xffff, v0  }
0x2f: {  	[tilespmem:s17+$0x810 ss:$0x81] =	vst.msk $0xffff, v3;
	v3 =	vld [tilespmem:s16+$0x20]  }
0x30: {  	s14 =	sshrl.u32 s14, $0x2;
	v0 =	vld [tilespmem:s16+$0xFFFFFFC0];
	[tilespmem:s17+$0x1020 ss:$0x81] =	vst.msk $0xffff, v4;
	s16 =	sadd.s32 $0x80, s16  }
0x31: {  	s18 =	simm.s32 $0x4;
	s19 =	simm.s32 $0x8;
	s14 =	sor.u32 $0x8000, s14;
	[tilespmem:s17+$0x1830 ss:$0x81] =	vst.msk $0xffff, v5;
	v4 =	vld [tilespmem:s16+$0x30]  }
.LBB1_3:
0x32: {  	p1 =	sne.s32 s19, $0x1FC;
	v5 =	vld [tilespmem:s16+$0xFFFFFFD0];
	[tilespmem:s17+$0x2040 ss:$0x81] =	vst.msk $0xffff, v1  }
0x33: {  	v6 =	vld [tilespmem:s16+$0xFFFFFFE0];
	[tilespmem:s17+$0x2850 ss:$0x81] =	vst.msk $0xffff, v2  }
0x34: {  	s20 =	sshra.s32 s18, $0x2;
	s18 =	smov.u32 s19;
	v7 =	vld [tilespmem:s16+$0xFFFFFFF0];
	[tilespmem:s17+$0x3060 ss:$0x81] =	vst.msk $0xffff, v3  }
.Ltmp3:
0x35: {  	v1 =	vld [tilespmem:s16+$0x0];
	[tilespmem:s17+$0x0 ss:$0x81] =	vst.msk $0xffff, v0;
	s17 =	sadd.s32 s20, s15;
	(pc) =	sbr.rel @p1 .LBB1_3-.Ltmp3, $4  }
0x36: {  	v2 =	vld [tilespmem:s16+$0x10];
	[tilespmem:s17+$0x3870 ss:$0x81] =	vst.msk $0xffff, v4  }
0x37: {  	[tilespmem:s17+$0x810 ss:$0x81] =	vst.msk $0xffff, v5;
	v3 =	vld [tilespmem:s16+$0x20]  }
0x38: {  	v0 =	vld [tilespmem:s16+$0xFFFFFFC0];
	[tilespmem:s17+$0x1020 ss:$0x81] =	vst.msk $0xffff, v6;
	s16 =	sadd.s32 $0x80, s16  }
0x39: {  	s19 =	sadd.s32 $0x4, s19;
	v4 =	vld [tilespmem:s16+$0x30];
	[tilespmem:s17+$0x1830 ss:$0x81] =	vst.msk $0xffff, v7  }
0x3a: {  	v5 =	vld [tilespmem:s16+$0xFFFFFFD0];
	[tilespmem:s17+$0x2040 ss:$0x81] =	vst.msk $0xffff, v1  }
0x3b: {  	v58 =	vld [tilespmem:s16+$0xFFFFFFE0];
	[tilespmem:s17+$0x2850 ss:$0x81] =	vst.msk $0xffff, v2  }
0x3c: {  	s18 =	sshra.s32 s18, $0x2;
	v59 =	vld [tilespmem:s16+$0xFFFFFFF0];
	[tilespmem:s17+$0x3060 ss:$0x81] =	vst.msk $0xffff, v3  }
0x3d: {  	v60 =	vld [tilespmem:s16+$0x0];
	s15 =	sadd.s32 s18, s15;
	[tilespmem:s17+$0x0 ss:$0x81] =	vst.msk $0xffff, v0  }
0x3e: {  	v61 =	vld [tilespmem:s16+$0x10];
	s25 =	sshll.u32 s13, $0x9;
	s26 =	sshll.u32 s11, $0x3;
	[tilespmem:s15+$0x3870 ss:$0x81] =	vst.msk $0xffff, v4  }
0x3f: {  	v62 =	vld [tilespmem:s16+$0x20];
	s27 =	sshll.u32 s13, $0x7;
	s30 =	sand.u32 $0x78, s11;
	s12 =	sshll.u32 s12, $0x11;
	[tilespmem:s15+$0x810 ss:$0x81] =	vst.msk $0xffff, v5  }
0x40: {  	v63 =	vld [tilespmem:s16+$0xFFFFFFC0];
	s31 =	sand.u32 $0x7, s11;
	s18 =	sand.u32 $0xFFC00, s26;
	s17 =	sand.u32 $0xFF000, s25;
	[tilespmem:s15+$0x1020 ss:$0x81] =	vst.msk $0xffff, v58  }
0x41: {  	s29 =	sand.u32 $0x200, s27;
	s13 =	sand.u32 $0x180, s27;
	s28 =	sadd.s32 s18, s17;
	[tilespmem:s15+$0x1830 ss:$0x81] =	vst.msk $0xffff, v59  }
.Ltmp4:
0x42: {  	s13 =	sor.u32 s30, s13;
	s16 =	sor.u32 s29, s28;
	[tilespmem:s15+$0x2040 ss:$0x81] =	vst.msk $0xffff, v60;
	(pc) =	sbr.rel .LBB1_5-.Ltmp4, $4  }
0x43: {  	s12 =	sadd.s32 s3, s12;
	s13 =	sshrl.u32 s13, $0x3;
	[tilespmem:s15+$0x2850 ss:$0x81] =	vst.msk $0xffff, v61;
	s16 =	sshrl.u32 s16, $0x3  }
0x44: {  	s11 =	sshll.u32 s31, $0x12;
	s12 =	sadd.s32 s13, s12;
	[tilespmem:s15+$0x3060 ss:$0x81] =	vst.msk $0xffff, v62;
	s16 =	sand.u32 $0x1FFC0, s16  }
0x45: {  	s11 =	sor.u32 $0x400, s11;
	[tilespmem:s15+$0x0 ss:$0x81] =	vst.msk $0xffff, v63;
	s12 =	sadd.s32 s16, s12  }
0x46: {  	[hbm4b:s12+s11] =	stream.strided.scatter [tilespmem:s14], [sflag:$0x2], $0x4000, s6, s11, $0x20;
	[tilespmem:$0x10100] =	vst v63  }
.LBB1_6:
0x47: {  	_ =	sfence.sel $0x180000  }
0x48: {  	s2 =	simm.s32 $0x1;
	[bflag:$0x0] =	sbarrier.arrive $0xFFFF  }
0x49: {  	s31 =	simm.s32 $0x2;
	[sflag:s2] =	ssyncpa.u1 $0x1  }
0x4a: {  	[sflag:s31] =	ssyncpa.u1 $0x1  }
0x4b: {  	p0 =	sne.s32 s1, $0x0;
	_ =	strace $0x90000050  }
0x4c: {  	s0 =	sadd.s32 @!p0 $0x100000, s0;
	[bflag:$0x2] =	sbarrier.arrive $0xFFFF  }
0x4d: {  	[sflag:s0] =	ssyncadd.tile.s32 @!p0 $0x1;
	_ =	shalt  }
.Lfunc_end1:
_tile_overlayer_lowered:
.L_overlay_start_2:
0x4e: {  	(tag) =	ssettag $0x2  }
0x4f: {  	s0 =	rddreg [dreg:$0x0];
	s2 =	stileid.u32  }
0x50: {  	s1 =	rddreg [dreg:$0x1];
	p0 =	sne.s32 s2, $0x0  }
0x51: {  	s3 =	rddreg [dreg:$0x2];
	[bflag:$0x3] =	sbarrier.arrive $0xFFFF;
	s2 =	simm.s32 @!p0 $0x1C01  }
0x52: {  	[timem:s3], [sflag:s2] =	dma.local @!p0 [hbm:s0], s1  }
0x53: {  	s0 =	simm.s32 @!p0 $0x1  }
0x54: {  	_ =	swait.ge @!p0 [sflag:s0], s1  }
0x55: {  	s1 =	ssub.s32 @!p0 $0x0, s1;
	[sflag:s0] =	ssyncset.done @!p0 $0x0  }
0x56: {  	[sflag:s0] =	ssyncadd.s32 @!p0 s1  }
0x57: {  	[bflag:$0x3] =	sbarrier.arrive $0xFFFF  }
0x58: {  	_ =	shalt  }

// kernel: sparse-core-data-format-call.cloned.1.call-start
scs
called_computation_lowered:
.L_overlay_start_0:
0x0: {  	s1 =	sld [smem:$0x3FD9]  }
0x1: {  	s2 =	sld [smem:$0x3FFE];
	_ =	sdelay $0x1  }
0x2: {  	s3 =	srdreg.scid  }
0x3: {  	s0 =	sand.u32 $0x1, s3  }
0x4: {  	s17 =	sshll.u32 s0, $0xA;
	s1 =	sadd.s32 s2, s1  }
0x5: {  	s1 =	sadd.s32 s1, s17  }
0x6: {  	[smem:$0x3F91] =	sst s1  }
0x7: {  	_ = 	snop  }
0x8: {  	(tm) =	ssettm $0x1  }
0x9: {  	s18 =	sld [smem:$0x3FFB];
	_ =	sdelay $0x3  }
0xa: {  	_ =	strace s18  }
0xb: {  	s1 =	sld [smem:$0x3FFC];
	_ =	sdelay $0x3  }
0xc: {  	_ =	strace s1  }
0xd: {  	s1 =	sld [smem:$0x3FFD];
	_ =	sdelay $0x3  }
0xe: {  	_ =	strace s1  }
0xf: {  	_ =	strace $0x8FFFFFFF  }
0x10: {  	s19 =	sld [smem:$0x3FDB];
	_ =	sdelay $0x1  }
0x11: {  	s20 =	simm.s32 $_scs_section_size  }
0x12: {  	s4 =	simm.s32 $_size__tile_overlayer_lowered;
	s5 =	simm.s32 $_tile_overlayer_lowered  }
0x13: {  	s23 =	simm.s32 $0x1BFF;
	s22 =	sshll.u32 s5, $0x1;
	s1 =	sadd.s32 s20, s19  }
0x14: {  	s6 =	simm.s32 $0x0;
	s21 =	sshll.u32 s4, $0x1;
	s4 =	sadd.s32 s22, s1  }
0x15: {  	[timem:s6], [sflag:s23] =	dma.local [hbm:s4], s21  }
0x16: {  	_ =	swait.ge [sflag:s23], s21  }
0x17: {  	s2 =	ssub.s32 $0x0, s21;
	[sflag:s23] =	ssyncset.done $0x0  }
0x18: {  	[sflag:s23] =	ssyncadd.s32 s2;
	_ =	sdelay $0x1  }
0x19: {  	s24 =	simm.s32 $0x1B8B  }
0x1a: {  	_ =	swait.ge [sflag:s24], $0x1  }
0x1b: {  	[sflag:s24] =	ssyncset.done $0x0  }
0x1c: {  	s26 =	simm.s32 $0x1B8E;
	s25 =	sld [smem:$0x3FFE];
	[sflag:s24] =	ssyncadd.s32 $0xFFFFFFFF  }
0x1d: {  	s27 =	simm.s32 $execute0_lowered;
	[smem:$0x3FD2] =	sst s26  }
0x1e: {  	s4 =	sshll.u32 s27, $0x1;
	_ =	strace $0x80000052;
	[dreg:$0x1] =	wrdreg $0xFFFFFFFF  }
0x1f: {  	s28 =	simm.s32 $_size_execute0_lowered;
	s1 =	sadd.s32 s1, s4;
	[dreg:$0x0] =	wrdreg $0x0  }
0x20: {  	s4 =	sshll.u32 s28, $0x1;
	[dreg:$0x2] =	wrdreg s1  }
0x21: {  	[dreg:$0x3] =	wrdreg s4  }
0x22: {  	[dreg:$0x4] =	wrdreg $0xC0  }
0x23: {  	_ =	task [dreg:s6], $0x5FFFF  }
0x24: {  	[dreg:$0x1] =	wrdreg $0xFFFFFFFF  }
0x25: {  	[dreg:$0x0] =	wrdreg $0x60  }
0x26: {  	[dreg:$0x2] =	wrdreg s25  }
0x27: {  	[dreg:$0x3] =	wrdreg $0x9  }
0x28: {  	_ =	task.clear_ibuf [dreg:s6], $0x4FFFF;
	_ =	strace $0x90000052  }
0x29: {  	s29 =	simm.s32 $0x9;
	_ =	strace $0x80000054  }
0x2a: {  	_ =	swait.ge [sflag:s29], $0x1  }
0x2b: {  	[sflag:s29] =	ssyncadd.s32 $0xFFFFFFFF  }
0x2c: {  	_ =	strace $0x90000054  }
0x2d: {  	_ =	sfence  }
0x2e: {  	s30 =	sld [smem:$0x0];
	_ =	sdelay $0x2  }
0x2f: {  	s31 =	sshll.u32 s3, $0xD;
	s3 =	sshrl.u32 s3, $0x2  }
0x30: {  	s2 =	sand.u32 $0x4000, s31;
	s1 =	sadd.s32 s3, s30  }
0x31: {  	s0 =	sor.u32 s2, s0;
	s1 =	sshll.u32 s1, $0x11  }
0x32: {  	s0 =	sor.u32 s1, s0  }
0x33: {  	s0 =	sadd.s32 $0x8F2B, s0  }
0x34: {  	[sflag:s0] =	ssyncadd.remote.s32 $0x1  }
0x35: {  	_ =	sfence.sel $0xFFFF  }
0x36: {  	[dreg:$0x0] =	wrdreg $0xFFFFFFFF;
	(pc) =	sbr.abs _section_cstart, $3  }
0x37: {  	[dreg:$0x1] =	wrdreg $0xFFFFFFFF  }
0x38: {  	_ =	task.clear_ibuf [dreg:s6], $0x2FFFF;
	_ =	strace $0x9FFFFFFF  }
0x39: {  	(tm) =	ssettm $0x7FFFFFFF  }
tec
execute0_lowered:
.L_overlay_start_1:
0x0: {  	(tag) =	ssettag $0x1  }
0x1: {  	s1 =	rddreg [dreg:$0x0]  }
0x2: {  	s0 =	rddreg [dreg:$0x1];
	_ =	strace $0x80000053  }
0x3: {  	s4 =	srdreg.scid;
	s6 =	simm.s32 $0x2;
	s12 =	simm.s32 $0x0  }
0x4: {  	p0 =	por $0x0, $0x0;
	s11 =	simm.s32 $0x0;
	s13 =	simm.s32 $0x0  }
.Ltmp0:
0x5: {  	s8 =	simm.s32 $0x0;
	s9 =	simm.s32 $0x0;
	(pc) =	sbr.rel .LBB1_1-.Ltmp0, $4  }
0x6: {  	s2 =	sadd.s32 $0x200800, s1;
	s3 =	sadd.s32 $0x600800, s1;
	s4 =	sshll.u32 s4, $0x4  }
0x7: {  	s1 =	stileid.u32;
	s5 =	sand.u32 $0x10, s4;
	s4 =	simm.s32 $0x1  }
0x8: {  	s7 =	simm.s32 $0x0;
	s5 =	sor.u32 s1, s5;
	[sflag:s4] =	ssyncpa.u1 $0x0  }
0x9: {  	[sflag:s6] =	ssyncpa.u1 $0x0;
	s6 =	simm.s32 $0x400;
	s10 =	smov.u32 s5  }
.LBB1_5:
0xa: {  	s14 =	sadd.s32 $0x2, s8  }
0xb: {  	s11 =	sadd.s32 $0x80, s9;
	s15 =	smov.u32 s9;
	p2 =	sgt.s32 s14, $0x3F  }
0xc: {  	s15 =	smov.u32 @p2 s11  }
0xd: {  	s17 =	smov.u32 s10;
	s11 =	sadd.s32 $0x20, s10;
	p3 =	sgt.s32 s15, $0xFF  }
0xe: {  	p1 =	slt.u32 s7, $0x2;
	s17 =	smov.u32 @p3 s11  }
0xf: {  	s7 =	sadd.s32 $0x1, s7;
	s14 =	simm.s32 @p2 $0x0;
	p2 =	sgt.s32 s17, $0x1F  }
0x10: {  	s17 =	smov.u32 @p2 s5;
	p2 =	sne.s32 s7, $0x42  }
.Ltmp1:
0x11: {  	s16 =	simm.s32 @!p1 $0x2;
	(pc) =	sbr.rel @!p2 .LBB1_6-.Ltmp1, $4  }
0x12: {  	s12 =	smov.u32 s8;
	_ =	swait.ge @!p1 [sflag:s16], $0x2000  }
0x13: {  	s13 =	smov.u32 s10;
	p0 =	por !p0, !p0;
	[sflag:s16] =	ssyncset.done @!p1 $0x0  }
0x14: {  	s8 =	smov.u32 s14;
	s15 =	simm.s32 @p3 $0x0;
	s11 =	smov.u32 s9  }
0x15: {  	[sflag:s16] =	ssyncadd.s32 @!p1 $0xFFFFE000;
	s9 =	smov.u32 s15;
	s10 =	smov.u32 s17  }
.LBB1_1:
0x16: {  	p1 =	sgt.u32 s7, $0x3F  }
0x17: {  	s14 =	sshll.u32 @!p1 s10, $0x11;
	s15 =	sshll.u32 @!p1 s9, $0x9;
	s16 =	sshll.u32 @!p1 s8, $0x3  }
0x18: {  	s17 =	sxor.u32 @!p1 $0xFFFFFFFF, s7;
	s14 =	sadd.s32 @!p1 s2, s14;
	s16 =	sand.u32 @!p1 $0x1F0, s16  }
0x19: {  	s14 =	sadd.s32 @!p1 s15, s14;
	s15 =	sshll.u32 @!p1 s17, $0xD;
	s17 =	simm.s32 @!p1 $0x1000  }
0x1a: {  	s14 =	sadd.s32 @!p1 s16, s14;
	s15 =	sand.u32 @!p1 $0x2000, s15;
	s16 =	simm.s32 @!p1 $0x40  }
0x1b: {  	[tilespmem:s15], [sflag:$0x1] =	stream.strided.gather @!p1 [hbm4b:s14+s16], $0x2000, s17, s16, $0x38;
	[tilespmem:$0x8080] =	vst v63  }
0x1c: {  	p1 =	seq.s32 s7, $0x0  }
0x1d: {  	p2 =	seq.s32 @!p1 s7, $0x41  }
0x1e: {  	p1 =	por p1, p2  }
.Ltmp2:
0x1f: {  	_ = 	snop;
	(pc) =	sbr.rel @p1 .LBB1_5-.Ltmp2, $1  }
0x20: {  	_ =	sdelay $0x3  }
0x21: {  	s14 =	simm.s32 $0x1  }
0x22: {  	_ =	swait.ge [sflag:s4], $0x2000;
	s14 =	simm.s32 @!p0 $0x0  }
0x23: {  	[sflag:s4] =	ssyncset.done $0x0;
	s15 =	sshll.u32 s14, $0xD  }
0x24: {  	[sflag:s4] =	ssyncadd.s32 $0xFFFFE000;
	s15 =	sor.u32 $0x20, s15  }
0x25: {  	v0 =	vld [tilespmem:s15+$0x0]  }
0x26: {  	v1 =	vld [tilespmem:s15+$0x10]  }
0x27: {  	v2 =	vld [tilespmem:s15+$0xFFFFFFF0]  }
0x28: {  	v3 =	vld [tilespmem:s15+$0xFFFFFFE0];
	_ =	sdelay $0x1  }
0x29: {  	s14 =	smul.u32 $0x8100, s14;
	s19 =	sadd.s32 $0x40, s15  }
0x2a: {  	s16 =	sand.u32 $0x1, s7;
	v4 =	vperm.xlane.i2c.b16 v1;
	v5 =	vperm.xlane.i2c.b16 v0;
	v0 =	vld [tilespmem:s19+$0x0]  }
0x2b: {  	s16 =	smul.u32 $0x8100, s16;
	s14 =	sshrl.u32 s14, $0x2;
	v6 =	vperm.xlane.i2c.b16 v2;
	v1 =	vld [tilespmem:s19+$0x10]  }
0x2c: {  	s15 =	sor.u32 $0x4000, s14;
	v8 =	vperm.xlane.i2c.b16 v3;
	v2 =	vld [tilespmem:s19+$0xFFFFFFF0];
	v7 =	vcombine.low v5, v4  }
0x2d: {  	s31 =	sshrl.u32 s16, $0x2;
	s16 =	sadd.s32 $0x0, s15;
	v3 =	vld [tilespmem:s19+$0xFFFFFFE0];
	v9 =	vcombine.high v5, v4  }
0x2e: {  	s17 =	simm.s32 $0x4;
	v5 =	vcombine.low v8, v6;
	[tilespmem:s16+$0x810 ss:$0x81] =	vst.msk $0xffff, v7  }
0x2f: {  	s18 =	simm.s32 $0x8;
	s14 =	sor.u32 $0x4000, s31;
	s19 =	sadd.s32 $0x40, s19;
	v4 =	vcombine.high v8, v6;
	[tilespmem:s16+$0x1830 ss:$0x81] =	vst.msk $0xffff, v9  }
.LBB1_3:
0x30: {  	v6 =	vperm.xlane.i2c.b16 v1;
	v7 =	vperm.xlane.i2c.b16 v0;
	v0 =	vld [tilespmem:s19+$0x0];
	[tilespmem:s16+$0x0 ss:$0x81] =	vst.msk $0xffff, v5;
	s20 =	smov.u32 s18;
	p1 =	sne.s32 s18, $0x1FC  }
.Ltmp3:
0x31: {  	v1 =	vld [tilespmem:s19+$0x10];
	v8 =	vperm.xlane.i2c.b16 v2;
	[tilespmem:s16+$0x1020 ss:$0x81] =	vst.msk $0xffff, v4;
	(pc) =	sbr.rel @p1 .LBB1_3-.Ltmp3, $4  }
0x32: {  	s18 =	sadd.s32 $0x4, s18;
	s16 =	sshra.s32 s17, $0x2;
	v2 =	vld [tilespmem:s19+$0xFFFFFFF0];
	v4 =	vperm.xlane.i2c.b16 v3;
	v9 =	vcombine.low v7, v6  }
0x33: {  	s17 =	smov.u32 s20;
	s16 =	sadd.s32 s16, s15;
	v6 =	vcombine.high v7, v6;
	v3 =	vld [tilespmem:s19+$0xFFFFFFE0]  }
0x34: {  	v5 =	vcombine.low v4, v8;
	v4 =	vcombine.high v4, v8;
	[tilespmem:s16+$0x810 ss:$0x81] =	vst.msk $0xffff, v9  }
0x35: {  	s19 =	sadd.s32 $0x40, s19;
	[tilespmem:s16+$0x1830 ss:$0x81] =	vst.msk $0xffff, v6  }
0x36: {  	v1 =	vperm.xlane.i2c.b16 v1;
	v0 =	vperm.xlane.i2c.b16 v0  }
0x37: {  	v2 =	vperm.xlane.i2c.b16 v2  }
0x38: {  	[tilespmem:s16+$0x0 ss:$0x81] =	vst.msk $0xffff, v5;
	s17 =	sshra.s32 s17, $0x2;
	s13 =	sshll.u32 s13, $0x10;
	v3 =	vperm.xlane.i2c.b16 v3;
	v62 =	vcombine.low v0, v1  }
0x39: {  	s28 =	sshrl.u32 s11, $0x1;
	s12 =	sshll.u32 s12, $0xA;
	[tilespmem:s16+$0x1020 ss:$0x81] =	vst.msk $0xffff, v4;
	s15 =	sadd.s32 s17, s15;
	v0 =	vcombine.high v0, v1  }
.Ltmp4:
0x3a: {  	s29 =	sshrl.u32 s11, $0x3;
	s13 =	sadd.s32 s3, s13;
	v63 =	vcombine.low v3, v2;
	[tilespmem:s15+$0x810 ss:$0x81] =	vst.msk $0xffff, v62;
	(pc) =	sbr.rel .LBB1_5-.Ltmp4, $4  }
0x3b: {  	s30 =	sand.u32 $0x7, s11;
	s16 =	sand.u32 $0x3C0, s28;
	s12 =	sadd.s32 s12, s13;
	v2 =	vcombine.high v3, v2;
	[tilespmem:s15+$0x1830 ss:$0x81] =	vst.msk $0xffff, v0  }
0x3c: {  	s31 =	sand.u32 $0xF, s29;
	s11 =	sshll.u32 s30, $0x12;
	s12 =	sadd.s32 s16, s12;
	[tilespmem:s15+$0x0 ss:$0x81] =	vst.msk $0xffff, v63  }
0x3d: {  	s11 =	sor.u32 $0x200, s11;
	s12 =	sadd.s32 s31, s12;
	[tilespmem:s15+$0x1020 ss:$0x81] =	vst.msk $0xffff, v2  }
0x3e: {  	[hbm4b:s12+s11] =	stream.strided.scatter [tilespmem:s14], [sflag:$0x2], $0x2000, s6, s11, $0x20;
	[tilespmem:$0x8080] =	vst v63  }
.LBB1_6:
0x3f: {  	_ =	sfence.sel $0x180000  }
0x40: {  	s2 =	simm.s32 $0x1;
	[bflag:$0x0] =	sbarrier.arrive $0xFFFF  }
0x41: {  	s31 =	simm.s32 $0x2;
	[sflag:s2] =	ssyncpa.u1 $0x1  }
0x42: {  	[sflag:s31] =	ssyncpa.u1 $0x1  }
0x43: {  	p0 =	sne.s32 s1, $0x0;
	_ =	strace $0x90000053  }
0x44: {  	s0 =	sadd.s32 @!p0 $0x100000, s0;
	[bflag:$0x2] =	sbarrier.arrive $0xFFFF  }
0x45: {  	[sflag:s0] =	ssyncadd.tile.s32 @!p0 $0x1;
	_ =	shalt  }
.Lfunc_end1:
_tile_overlayer_lowered:
.L_overlay_start_2:
0x46: {  	(tag) =	ssettag $0x2  }
0x47: {  	s0 =	rddreg [dreg:$0x0];
	s2 =	stileid.u32  }
0x48: {  	s1 =	rddreg [dreg:$0x1];
	p0 =	sne.s32 s2, $0x0  }
0x49: {  	s3 =	rddreg [dreg:$0x2];
	[bflag:$0x3] =	sbarrier.arrive $0xFFFF;
	s2 =	simm.s32 @!p0 $0x1C01  }
0x4a: {  	[timem:s3], [sflag:s2] =	dma.local @!p0 [hbm:s0], s1  }
0x4b: {  	s0 =	simm.s32 @!p0 $0x1  }
0x4c: {  	_ =	swait.ge @!p0 [sflag:s0], s1  }
0x4d: {  	s1 =	ssub.s32 @!p0 $0x0, s1;
	[sflag:s0] =	ssyncset.done @!p0 $0x0  }
0x4e: {  	[sflag:s0] =	ssyncadd.s32 @!p0 s1  }
0x4f: {  	[bflag:$0x3] =	sbarrier.arrive $0xFFFF  }
0x50: {  	_ =	shalt  }

</sc_bundles>
